<compile_context>
chip_gen: v7x
topology: tpu7x:2x2x1
jax: 0.10.2.dev20260603
libtpu: 0.0.44.dev20260713+nightly
codegen_flags: <defaults>
</compile_context>

<pallas_src>
import functools

import jax
import jax.numpy as jnp
from jax import lax
from jax.experimental import pallas as pl
from jax.experimental.pallas import tpu as pltpu
from jax.experimental.pallas import tpu_sc as plsc

VOCAB = 1000
D_EMB = 128
BATCH = 4096
HIST = 200

NC, NS = 2, 16
NW = NC * NS
ROWS = BATCH * HIST
RPW = ROWS // NW
CHUNK = 128
NCHUNK = RPW // CHUNK
NBUF = 5
LAG = 2


def _sc_body(table_hbm, idx_hbm, out_hbm, table_sp, idx_v,
             buf0, buf1, buf2, buf3, buf4,
             g0, g1, g2, g3, g4, o0, o1, o2, o3, o4):
    sid = lax.axis_index("s")
    wid = sid * NC + lax.axis_index("c")
    bufs = (buf0, buf1, buf2, buf3, buf4)
    gsems = (g0, g1, g2, g3, g4)
    osems = (o0, o1, o2, o3, o4)
    cbase = wid * NCHUNK

    @pl.when(sid < 10)
    def _():
        off = pl.multiple_of(sid * 96, 8)
        pltpu.sync_copy(table_hbm.at[pl.ds(off, 96)],
                        table_sp.at[pl.ds(off, 96)])

    @pl.when(sid == 10)
    def _():
        pltpu.sync_copy(table_hbm.at[pl.ds(960, 40)],
                        table_sp.at[pl.ds(960, 40)])

    pltpu.sync_copy(idx_hbm.at[wid], idx_v)
    plsc.subcore_barrier()

    def g_start(g, b):
        pltpu.async_copy(table_sp.at[idx_v.at[g]], bufs[b], gsems[b])

    def g_wait(g, b):
        pltpu.make_async_copy(table_sp.at[idx_v.at[g]], bufs[b], gsems[b]).wait()

    def o_start(g, b):
        pltpu.async_copy(bufs[b], out_hbm.at[cbase + g], osems[b])

    def o_wait(g, b):
        pltpu.make_async_copy(bufs[b], out_hbm.at[cbase + g], osems[b]).wait()

    for g in range(LAG):
        g_start(g, g % NBUF)

    for g in range(NBUF):
        g_wait(g, g % NBUF)
        o_start(g, g % NBUF)
        if g + LAG - NBUF >= 0:
            o_wait(g + LAG - NBUF, (g + LAG) % NBUF)
        g_start(g + LAG, (g + LAG) % NBUF)

    def loop_body(i, carry):
        for b in range(NBUF):
            g = i * NBUF + b
            b2 = (b + LAG) % NBUF
            g_wait(g, b)
            o_start(g, b)
            o_wait(g + LAG - NBUF, b2)
            g_start(g + LAG, b2)
        return carry

    lax.fori_loop(1, NCHUNK // NBUF - 1, loop_body, None)

    for b in range(NBUF):
        g = NCHUNK - NBUF + b
        g_wait(g, b)
        o_start(g, b)
        if g + LAG < NCHUNK:
            o_wait(g + LAG - NBUF, (g + LAG) % NBUF)
            g_start(g + LAG, (g + LAG) % NBUF)

    for b in range(NBUF):
        g = NCHUNK - NBUF + b
        o_wait(g, b)


_sc_gather = functools.partial(
    pl.kernel,
    out_type=jax.ShapeDtypeStruct((NW * NCHUNK, CHUNK, D_EMB), jnp.float32),
    mesh=plsc.VectorSubcoreMesh(core_axis_name="c", subcore_axis_name="s"),
    scratch_types=(
        [pltpu.VMEM_SHARED((VOCAB, D_EMB), jnp.float32)]
        + [pltpu.VMEM((NCHUNK, CHUNK), jnp.int32)]
        + [pltpu.VMEM((CHUNK, D_EMB), jnp.float32)] * NBUF
        + [pltpu.SemaphoreType.DMA] * (2 * NBUF)
    ),
)(_sc_body)


def kernel(x, table):
    idx = x.astype(jnp.int32).reshape(NW, NCHUNK, CHUNK)
    out = _sc_gather(table, idx)
    return out.reshape(BATCH, HIST, D_EMB)

# --- scband reference (transcript-rebuilt; emitter-appended) ---
"""Pipeline reference for scband-embedding-layer-21792664059987 (READ-ONLY COPY).

The authoritative reference and input builder live on the scoring server;
editing this copy changes nothing except your own understanding.
"""

import jax, jax.numpy as jnp
import numpy as np

VOCAB = 1000
D_EMB = 128
BATCH = 4096
HIST = 200

def setup_inputs(seed: int = 0) -> dict:
    key = jax.random.key(seed)
    k1, k2 = jax.random.split(key)
    x = jax.random.randint(k1, (BATCH, HIST), 0, VOCAB, dtype=jnp.int64 if jax.config.jax_enable_x64 else jnp.int32)
    # Embedding table (learned parameter), keras Embedding default uniform init
    table = jax.random.uniform(k2, (VOCAB, D_EMB), dtype=jnp.float32, minval=-0.05, maxval=0.05)
    return {"x": x, "table": table}

def reference(x, table):
    # EmbeddingLayer.call: self.embeddings(x) -> gather rows of table
    return jnp.take(table, x, axis=0)

if __name__ == "__main__":
    import jax
    _d = setup_inputs()
    print(jax.jit(kernel)(*tuple(_d.values())))

</pallas_src>

<mosaic_0001>
#map = affine_map<(d0, d1) -> (0, 0)>
#map1 = affine_map<(d0, d1) -> (0, 0, 0)>
module attributes {stable_mosaic.version = 14 : i64} {
  func.func @_sc_body(%arg0: i32, %arg1: i32, %arg2: memref<1000x128xf32, #tpu.memory_space<hbm>>, %arg3: memref<32x200x128xi32, #tpu.memory_space<hbm>>, %arg4: memref<6400x128x128xf32, #tpu.memory_space<hbm>>, %arg5: memref<1000x128xf32, #tpu.memory_space<vmem_shared>>, %arg6: memref<200x128xi32, #tpu.memory_space<vmem>>, %arg7: memref<128x128xf32, #tpu.memory_space<vmem>>, %arg8: memref<128x128xf32, #tpu.memory_space<vmem>>, %arg9: memref<128x128xf32, #tpu.memory_space<vmem>>, %arg10: memref<128x128xf32, #tpu.memory_space<vmem>>, %arg11: memref<128x128xf32, #tpu.memory_space<vmem>>, %arg12: memref<!tpu.dma_semaphore, #tpu.memory_space<semaphore_mem>>, %arg13: memref<!tpu.dma_semaphore, #tpu.memory_space<semaphore_mem>>, %arg14: memref<!tpu.dma_semaphore, #tpu.memory_space<semaphore_mem>>, %arg15: memref<!tpu.dma_semaphore, #tpu.memory_space<semaphore_mem>>, %arg16: memref<!tpu.dma_semaphore, #tpu.memory_space<semaphore_mem>>, %arg17: memref<!tpu.dma_semaphore, #tpu.memory_space<semaphore_mem>>, %arg18: memref<!tpu.dma_semaphore, #tpu.memory_space<semaphore_mem>>, %arg19: memref<!tpu.dma_semaphore, #tpu.memory_space<semaphore_mem>>, %arg20: memref<!tpu.dma_semaphore, #tpu.memory_space<semaphore_mem>>, %arg21: memref<!tpu.dma_semaphore, #tpu.memory_space<semaphore_mem>>) attributes {dimension_semantics = [#tpu.dimension_semantics<core_parallel>, #tpu.dimension_semantics<subcore_parallel>], iteration_bounds = array<i64: 2, 16>, scalar_prefetch = 0 : i64, scratch_operands = 17 : i64, tpu.core_type = #tpu.core_type<sc_vector_subcore>, window_params = [{transform_indices = #map}, {transform_indices = #map1}, {transform_indices = #map1}]} {
    %mul3A = arith.constant 2 : i32
    %mul3A_0 = arith.muli %arg1, %mul3A : i32
    %add3A = arith.addi %mul3A_0, %arg0 : i32
    %mul3A_1 = arith.constant 200 : i32
    %mul3A_2 = arith.muli %add3A, %mul3A_1 : i32
    %lt3A = arith.constant 10 : i32
    %lt3A_3 = arith.cmpi slt, %arg1, %lt3A : i32
    %convert_element_type3A = arith.extui %lt3A_3 : i1 to i32
    %cond3A = arith.constant 0 : i32
    %cond3A_4 = arith.cmpi ne, %convert_element_type3A, %cond3A : i32
    scf.if %cond3A_4 {
      %mul3A_351 = arith.constant 96 : i32
      %mul3A_352 = arith.muli %arg1, %mul3A_351 : i32
      %multiple_of3A = tpu.assume_multiple %mul3A_352, 8 : i32
      "tpu.region"() ({
        %run_scoped3A = tpu.sem_alloc : memref<!tpu.dma_semaphore, #tpu.memory_space<semaphore_mem>>
        %dma_start3A_353 = arith.constant 0 : i32
        %dma_start3A_354 = tpu.memref_slice %arg5[%multiple_of3A, %dma_start3A_353] : memref<1000x128xf32, #tpu.memory_space<vmem_shared>> -> memref<96x128xf32, #tpu.memory_space<vmem_shared>>
        %dma_start3A_355 = arith.constant 0 : i32
        %dma_start3A_356 = tpu.memref_slice %arg2[%multiple_of3A, %dma_start3A_355] : memref<1000x128xf32, #tpu.memory_space<hbm>> -> memref<96x128xf32, #tpu.memory_space<hbm>>
        tpu.enqueue_dma source(%dma_start3A_356 : memref<96x128xf32, #tpu.memory_space<hbm>>) target(%dma_start3A_354 : memref<96x128xf32, #tpu.memory_space<vmem_shared>>) target_semaphore(%run_scoped3A : memref<!tpu.dma_semaphore, #tpu.memory_space<semaphore_mem>>)
        %dma_wait3A_357 = arith.constant 0 : i32
        %dma_wait3A_358 = tpu.memref_slice %arg5[%multiple_of3A, %dma_wait3A_357] : memref<1000x128xf32, #tpu.memory_space<vmem_shared>> -> memref<96x128xf32, #tpu.memory_space<vmem_shared>>
        %dma_wait3A_359 = arith.constant 0 : i32
        %dma_wait3A_360 = tpu.memref_slice %arg2[%multiple_of3A, %dma_wait3A_359] : memref<1000x128xf32, #tpu.memory_space<hbm>> -> memref<96x128xf32, #tpu.memory_space<hbm>>
        tpu.wait_dma2 semaphore(%run_scoped3A : memref<!tpu.dma_semaphore, #tpu.memory_space<semaphore_mem>>) src(%dma_wait3A_360 : memref<96x128xf32, #tpu.memory_space<hbm>>) dst(%dma_wait3A_358 : memref<96x128xf32, #tpu.memory_space<vmem_shared>>)
        tpu.yield
      }) : () -> ()
    } else {
    }
    %eq3A = arith.constant 10 : i32
    %eq3A_5 = arith.cmpi eq, %arg1, %eq3A : i32
    %convert_element_type3A_6 = arith.extui %eq3A_5 : i1 to i32
    %cond3A_7 = arith.constant 0 : i32
    %cond3A_8 = arith.cmpi ne, %convert_element_type3A_6, %cond3A_7 : i32
    scf.if %cond3A_8 {
      "tpu.region"() ({
        %run_scoped3A = tpu.sem_alloc : memref<!tpu.dma_semaphore, #tpu.memory_space<semaphore_mem>>
        %dma_start3A_351 = arith.constant 960 : i32
        %dma_start3A_352 = arith.constant 0 : i32
        %dma_start3A_353 = tpu.memref_slice %arg5[%dma_start3A_351, %dma_start3A_352] : memref<1000x128xf32, #tpu.memory_space<vmem_shared>> -> memref<40x128xf32, #tpu.memory_space<vmem_shared>>
        %dma_start3A_354 = arith.constant 960 : i32
        %dma_start3A_355 = arith.constant 0 : i32
        %dma_start3A_356 = tpu.memref_slice %arg2[%dma_start3A_354, %dma_start3A_355] : memref<1000x128xf32, #tpu.memory_space<hbm>> -> memref<40x128xf32, #tpu.memory_space<hbm>>
        tpu.enqueue_dma source(%dma_start3A_356 : memref<40x128xf32, #tpu.memory_space<hbm>>) target(%dma_start3A_353 : memref<40x128xf32, #tpu.memory_space<vmem_shared>>) target_semaphore(%run_scoped3A : memref<!tpu.dma_semaphore, #tpu.memory_space<semaphore_mem>>)
        %dma_wait3A_357 = arith.constant 960 : i32
        %dma_wait3A_358 = arith.constant 0 : i32
        %dma_wait3A_359 = tpu.memref_slice %arg5[%dma_wait3A_357, %dma_wait3A_358] : memref<1000x128xf32, #tpu.memory_space<vmem_shared>> -> memref<40x128xf32, #tpu.memory_space<vmem_shared>>
        %dma_wait3A_360 = arith.constant 960 : i32
        %dma_wait3A_361 = arith.constant 0 : i32
        %dma_wait3A_362 = tpu.memref_slice %arg2[%dma_wait3A_360, %dma_wait3A_361] : memref<1000x128xf32, #tpu.memory_space<hbm>> -> memref<40x128xf32, #tpu.memory_space<hbm>>
        tpu.wait_dma2 semaphore(%run_scoped3A : memref<!tpu.dma_semaphore, #tpu.memory_space<semaphore_mem>>) src(%dma_wait3A_362 : memref<40x128xf32, #tpu.memory_space<hbm>>) dst(%dma_wait3A_359 : memref<40x128xf32, #tpu.memory_space<vmem_shared>>)
        tpu.yield
      }) : () -> ()
    } else {
    }
    "tpu.region"() ({
      %run_scoped3A = tpu.sem_alloc : memref<!tpu.dma_semaphore, #tpu.memory_space<semaphore_mem>>
      %dma_start3A_351 = arith.constant 0 : i32
      %dma_start3A_352 = arith.constant 0 : i32
      %dma_start3A_353 = tpu.memref_slice %arg3[%add3A, %dma_start3A_351, %dma_start3A_352] : memref<32x200x128xi32, #tpu.memory_space<hbm>> -> memref<1x200x128xi32, #tpu.memory_space<hbm>>
      %dma_start3A_354 = tpu.memref_squeeze %dma_start3A_353 : memref<1x200x128xi32, #tpu.memory_space<hbm>> -> memref<200x128xi32, #tpu.memory_space<hbm>>
      %dma_start3A_355 = arith.constant 0 : i32
      %dma_start3A_356 = arith.constant 0 : i32
      %dma_start3A_357 = tpu.memref_slice %arg3[%add3A, %dma_start3A_355, %dma_start3A_356] : memref<32x200x128xi32, #tpu.memory_space<hbm>> -> memref<1x200x128xi32, #tpu.memory_space<hbm>>
      %dma_start3A_358 = tpu.memref_squeeze %dma_start3A_357 : memref<1x200x128xi32, #tpu.memory_space<hbm>> -> memref<200x128xi32, #tpu.memory_space<hbm>>
      tpu.enqueue_dma source(%dma_start3A_358 : memref<200x128xi32, #tpu.memory_space<hbm>>) target(%arg6 : memref<200x128xi32, #tpu.memory_space<vmem>>) target_semaphore(%run_scoped3A : memref<!tpu.dma_semaphore, #tpu.memory_space<semaphore_mem>>)
      %dma_wait3A_359 = arith.constant 0 : i32
      %dma_wait3A_360 = arith.constant 0 : i32
      %dma_wait3A_361 = tpu.memref_slice %arg3[%add3A, %dma_wait3A_359, %dma_wait3A_360] : memref<32x200x128xi32, #tpu.memory_space<hbm>> -> memref<1x200x128xi32, #tpu.memory_space<hbm>>
      %dma_wait3A_362 = tpu.memref_squeeze %dma_wait3A_361 : memref<1x200x128xi32, #tpu.memory_space<hbm>> -> memref<200x128xi32, #tpu.memory_space<hbm>>
      %dma_wait3A_363 = arith.constant 0 : i32
      %dma_wait3A_364 = arith.constant 0 : i32
      %dma_wait3A_365 = tpu.memref_slice %arg3[%add3A, %dma_wait3A_363, %dma_wait3A_364] : memref<32x200x128xi32, #tpu.memory_space<hbm>> -> memref<1x200x128xi32, #tpu.memory_space<hbm>>
      %dma_wait3A_366 = tpu.memref_squeeze %dma_wait3A_365 : memref<1x200x128xi32, #tpu.memory_space<hbm>> -> memref<200x128xi32, #tpu.memory_space<hbm>>
      tpu.wait_dma2 semaphore(%run_scoped3A : memref<!tpu.dma_semaphore, #tpu.memory_space<semaphore_mem>>) src(%dma_wait3A_366 : memref<200x128xi32, #tpu.memory_space<hbm>>) dst(%arg6 : memref<200x128xi32, #tpu.memory_space<vmem>>)
      tpu.yield
    }) : () -> ()
    %barrier3A = arith.constant 0 : index
    tpu.barrier barrier_id(%barrier3A)
    %dma_start3A = arith.constant 0 : i32
    %dma_start3A_9 = arith.constant 0 : i32
    %dma_start3A_10 = tpu.memref_slice %arg6[%dma_start3A, %dma_start3A_9] : memref<200x128xi32, #tpu.memory_space<vmem>> -> memref<1x128xi32, #tpu.memory_space<vmem>>
    %dma_start3A_11 = tpu.memref_squeeze %dma_start3A_10 : memref<1x128xi32, #tpu.memory_space<vmem>> -> memref<128xi32, #tpu.memory_space<vmem>>
    %dma_start3A_12 = arith.constant 0 : i32
    %dma_start3A_13 = arith.constant 0 : i32
    %dma_start3A_14 = tpu.memref_slice %arg5[%dma_start3A_12, %dma_start3A_13] : memref<1000x128xf32, #tpu.memory_space<vmem_shared>> -> memref<1000x128xf32, #tpu.memory_space<vmem_shared>>
    tpu.enqueue_indirect_dma source(%dma_start3A_14 : memref<1000x128xf32, #tpu.memory_space<vmem_shared>>) target(%arg7 : memref<128x128xf32, #tpu.memory_space<vmem>>) offsets(%dma_start3A_11 : memref<128xi32, #tpu.memory_space<vmem>>) semaphore(%arg12 : memref<!tpu.dma_semaphore, #tpu.memory_space<semaphore_mem>>)
    %dma_start3A_15 = arith.constant 1 : i32
    %dma_start3A_16 = arith.constant 0 : i32
    %dma_start3A_17 = tpu.memref_slice %arg6[%dma_start3A_15, %dma_start3A_16] : memref<200x128xi32, #tpu.memory_space<vmem>> -> memref<1x128xi32, #tpu.memory_space<vmem>>
    %dma_start3A_18 = tpu.memref_squeeze %dma_start3A_17 : memref<1x128xi32, #tpu.memory_space<vmem>> -> memref<128xi32, #tpu.memory_space<vmem>>
    %dma_start3A_19 = arith.constant 0 : i32
    %dma_start3A_20 = arith.constant 0 : i32
    %dma_start3A_21 = tpu.memref_slice %arg5[%dma_start3A_19, %dma_start3A_20] : memref<1000x128xf32, #tpu.memory_space<vmem_shared>> -> memref<1000x128xf32, #tpu.memory_space<vmem_shared>>
    tpu.enqueue_indirect_dma source(%dma_start3A_21 : memref<1000x128xf32, #tpu.memory_space<vmem_shared>>) target(%arg8 : memref<128x128xf32, #tpu.memory_space<vmem>>) offsets(%dma_start3A_18 : memref<128xi32, #tpu.memory_space<vmem>>) semaphore(%arg13 : memref<!tpu.dma_semaphore, #tpu.memory_space<semaphore_mem>>)
    %dma_wait3A = arith.constant 0 : i32
    %dma_wait3A_22 = arith.constant 0 : i32
    %dma_wait3A_23 = tpu.memref_slice %arg6[%dma_wait3A, %dma_wait3A_22] : memref<200x128xi32, #tpu.memory_space<vmem>> -> memref<1x128xi32, #tpu.memory_space<vmem>>
    %dma_wait3A_24 = tpu.memref_squeeze %dma_wait3A_23 : memref<1x128xi32, #tpu.memory_space<vmem>> -> memref<128xi32, #tpu.memory_space<vmem>>
    %dma_wait3A_25 = arith.constant 0 : i32
    %dma_wait3A_26 = arith.constant 0 : i32
    %dma_wait3A_27 = tpu.memref_slice %arg5[%dma_wait3A_25, %dma_wait3A_26] : memref<1000x128xf32, #tpu.memory_space<vmem_shared>> -> memref<1000x128xf32, #tpu.memory_space<vmem_shared>>
    tpu.wait_indirect_dma semaphore(%arg12 : memref<!tpu.dma_semaphore, #tpu.memory_space<semaphore_mem>>) src(%dma_wait3A_27 : memref<1000x128xf32, #tpu.memory_space<vmem_shared>>) dst(%arg7 : memref<128x128xf32, #tpu.memory_space<vmem>>)
    %add3A_28 = arith.constant 0 : i32
    %add3A_29 = arith.addi %mul3A_2, %add3A_28 : i32
    %dma_start3A_30 = arith.constant 0 : i32
    %dma_start3A_31 = arith.constant 0 : i32
    %dma_start3A_32 = tpu.memref_slice %arg4[%add3A_29, %dma_start3A_30, %dma_start3A_31] : memref<6400x128x128xf32, #tpu.memory_space<hbm>> -> memref<1x128x128xf32, #tpu.memory_space<hbm>>
    %dma_start3A_33 = tpu.memref_squeeze %dma_start3A_32 : memref<1x128x128xf32, #tpu.memory_space<hbm>> -> memref<128x128xf32, #tpu.memory_space<hbm>>
    %dma_start3A_34 = arith.constant 0 : i32
    %dma_start3A_35 = arith.constant 0 : i32
    %dma_start3A_36 = tpu.memref_slice %arg4[%add3A_29, %dma_start3A_34, %dma_start3A_35] : memref<6400x128x128xf32, #tpu.memory_space<hbm>> -> memref<1x128x128xf32, #tpu.memory_space<hbm>>
    %dma_start3A_37 = tpu.memref_squeeze %dma_start3A_36 : memref<1x128x128xf32, #tpu.memory_space<hbm>> -> memref<128x128xf32, #tpu.memory_space<hbm>>
    tpu.enqueue_dma source(%arg7 : memref<128x128xf32, #tpu.memory_space<vmem>>) target(%dma_start3A_37 : memref<128x128xf32, #tpu.memory_space<hbm>>) target_semaphore(%arg17 : memref<!tpu.dma_semaphore, #tpu.memory_space<semaphore_mem>>)
    %dma_start3A_38 = arith.constant 2 : i32
    %dma_start3A_39 = arith.constant 0 : i32
    %dma_start3A_40 = tpu.memref_slice %arg6[%dma_start3A_38, %dma_start3A_39] : memref<200x128xi32, #tpu.memory_space<vmem>> -> memref<1x128xi32, #tpu.memory_space<vmem>>
    %dma_start3A_41 = tpu.memref_squeeze %dma_start3A_40 : memref<1x128xi32, #tpu.memory_space<vmem>> -> memref<128xi32, #tpu.memory_space<vmem>>
    %dma_start3A_42 = arith.constant 0 : i32
    %dma_start3A_43 = arith.constant 0 : i32
    %dma_start3A_44 = tpu.memref_slice %arg5[%dma_start3A_42, %dma_start3A_43] : memref<1000x128xf32, #tpu.memory_space<vmem_shared>> -> memref<1000x128xf32, #tpu.memory_space<vmem_shared>>
    tpu.enqueue_indirect_dma source(%dma_start3A_44 : memref<1000x128xf32, #tpu.memory_space<vmem_shared>>) target(%arg9 : memref<128x128xf32, #tpu.memory_space<vmem>>) offsets(%dma_start3A_41 : memref<128xi32, #tpu.memory_space<vmem>>) semaphore(%arg14 : memref<!tpu.dma_semaphore, #tpu.memory_space<semaphore_mem>>)
    %dma_wait3A_45 = arith.constant 1 : i32
    %dma_wait3A_46 = arith.constant 0 : i32
    %dma_wait3A_47 = tpu.memref_slice %arg6[%dma_wait3A_45, %dma_wait3A_46] : memref<200x128xi32, #tpu.memory_space<vmem>> -> memref<1x128xi32, #tpu.memory_space<vmem>>
    %dma_wait3A_48 = tpu.memref_squeeze %dma_wait3A_47 : memref<1x128xi32, #tpu.memory_space<vmem>> -> memref<128xi32, #tpu.memory_space<vmem>>
    %dma_wait3A_49 = arith.constant 0 : i32
    %dma_wait3A_50 = arith.constant 0 : i32
    %dma_wait3A_51 = tpu.memref_slice %arg5[%dma_wait3A_49, %dma_wait3A_50] : memref<1000x128xf32, #tpu.memory_space<vmem_shared>> -> memref<1000x128xf32, #tpu.memory_space<vmem_shared>>
    tpu.wait_indirect_dma semaphore(%arg13 : memref<!tpu.dma_semaphore, #tpu.memory_space<semaphore_mem>>) src(%dma_wait3A_51 : memref<1000x128xf32, #tpu.memory_space<vmem_shared>>) dst(%arg8 : memref<128x128xf32, #tpu.memory_space<vmem>>)
    %add3A_52 = arith.constant 1 : i32
    %add3A_53 = arith.addi %mul3A_2, %add3A_52 : i32
    %dma_start3A_54 = arith.constant 0 : i32
    %dma_start3A_55 = arith.constant 0 : i32
    %dma_start3A_56 = tpu.memref_slice %arg4[%add3A_53, %dma_start3A_54, %dma_start3A_55] : memref<6400x128x128xf32, #tpu.memory_space<hbm>> -> memref<1x128x128xf32, #tpu.memory_space<hbm>>
    %dma_start3A_57 = tpu.memref_squeeze %dma_start3A_56 : memref<1x128x128xf32, #tpu.memory_space<hbm>> -> memref<128x128xf32, #tpu.memory_space<hbm>>
    %dma_start3A_58 = arith.constant 0 : i32
    %dma_start3A_59 = arith.constant 0 : i32
    %dma_start3A_60 = tpu.memref_slice %arg4[%add3A_53, %dma_start3A_58, %dma_start3A_59] : memref<6400x128x128xf32, #tpu.memory_space<hbm>> -> memref<1x128x128xf32, #tpu.memory_space<hbm>>
    %dma_start3A_61 = tpu.memref_squeeze %dma_start3A_60 : memref<1x128x128xf32, #tpu.memory_space<hbm>> -> memref<128x128xf32, #tpu.memory_space<hbm>>
    tpu.enqueue_dma source(%arg8 : memref<128x128xf32, #tpu.memory_space<vmem>>) target(%dma_start3A_61 : memref<128x128xf32, #tpu.memory_space<hbm>>) target_semaphore(%arg18 : memref<!tpu.dma_semaphore, #tpu.memory_space<semaphore_mem>>)
    %dma_start3A_62 = arith.constant 3 : i32
    %dma_start3A_63 = arith.constant 0 : i32
    %dma_start3A_64 = tpu.memref_slice %arg6[%dma_start3A_62, %dma_start3A_63] : memref<200x128xi32, #tpu.memory_space<vmem>> -> memref<1x128xi32, #tpu.memory_space<vmem>>
    %dma_start3A_65 = tpu.memref_squeeze %dma_start3A_64 : memref<1x128xi32, #tpu.memory_space<vmem>> -> memref<128xi32, #tpu.memory_space<vmem>>
    %dma_start3A_66 = arith.constant 0 : i32
    %dma_start3A_67 = arith.constant 0 : i32
    %dma_start3A_68 = tpu.memref_slice %arg5[%dma_start3A_66, %dma_start3A_67] : memref<1000x128xf32, #tpu.memory_space<vmem_shared>> -> memref<1000x128xf32, #tpu.memory_space<vmem_shared>>
    tpu.enqueue_indirect_dma source(%dma_start3A_68 : memref<1000x128xf32, #tpu.memory_space<vmem_shared>>) target(%arg10 : memref<128x128xf32, #tpu.memory_space<vmem>>) offsets(%dma_start3A_65 : memref<128xi32, #tpu.memory_space<vmem>>) semaphore(%arg15 : memref<!tpu.dma_semaphore, #tpu.memory_space<semaphore_mem>>)
    %dma_wait3A_69 = arith.constant 2 : i32
    %dma_wait3A_70 = arith.constant 0 : i32
    %dma_wait3A_71 = tpu.memref_slice %arg6[%dma_wait3A_69, %dma_wait3A_70] : memref<200x128xi32, #tpu.memory_space<vmem>> -> memref<1x128xi32, #tpu.memory_space<vmem>>
    %dma_wait3A_72 = tpu.memref_squeeze %dma_wait3A_71 : memref<1x128xi32, #tpu.memory_space<vmem>> -> memref<128xi32, #tpu.memory_space<vmem>>
    %dma_wait3A_73 = arith.constant 0 : i32
    %dma_wait3A_74 = arith.constant 0 : i32
    %dma_wait3A_75 = tpu.memref_slice %arg5[%dma_wait3A_73, %dma_wait3A_74] : memref<1000x128xf32, #tpu.memory_space<vmem_shared>> -> memref<1000x128xf32, #tpu.memory_space<vmem_shared>>
    tpu.wait_indirect_dma semaphore(%arg14 : memref<!tpu.dma_semaphore, #tpu.memory_space<semaphore_mem>>) src(%dma_wait3A_75 : memref<1000x128xf32, #tpu.memory_space<vmem_shared>>) dst(%arg9 : memref<128x128xf32, #tpu.memory_space<vmem>>)
    %add3A_76 = arith.constant 2 : i32
    %add3A_77 = arith.addi %mul3A_2, %add3A_76 : i32
    %dma_start3A_78 = arith.constant 0 : i32
    %dma_start3A_79 = arith.constant 0 : i32
    %dma_start3A_80 = tpu.memref_slice %arg4[%add3A_77, %dma_start3A_78, %dma_start3A_79] : memref<6400x128x128xf32, #tpu.memory_space<hbm>> -> memref<1x128x128xf32, #tpu.memory_space<hbm>>
    %dma_start3A_81 = tpu.memref_squeeze %dma_start3A_80 : memref<1x128x128xf32, #tpu.memory_space<hbm>> -> memref<128x128xf32, #tpu.memory_space<hbm>>
    %dma_start3A_82 = arith.constant 0 : i32
    %dma_start3A_83 = arith.constant 0 : i32
    %dma_start3A_84 = tpu.memref_slice %arg4[%add3A_77, %dma_start3A_82, %dma_start3A_83] : memref<6400x128x128xf32, #tpu.memory_space<hbm>> -> memref<1x128x128xf32, #tpu.memory_space<hbm>>
    %dma_start3A_85 = tpu.memref_squeeze %dma_start3A_84 : memref<1x128x128xf32, #tpu.memory_space<hbm>> -> memref<128x128xf32, #tpu.memory_space<hbm>>
    tpu.enqueue_dma source(%arg9 : memref<128x128xf32, #tpu.memory_space<vmem>>) target(%dma_start3A_85 : memref<128x128xf32, #tpu.memory_space<hbm>>) target_semaphore(%arg19 : memref<!tpu.dma_semaphore, #tpu.memory_space<semaphore_mem>>)
    %dma_start3A_86 = arith.constant 4 : i32
    %dma_start3A_87 = arith.constant 0 : i32
    %dma_start3A_88 = tpu.memref_slice %arg6[%dma_start3A_86, %dma_start3A_87] : memref<200x128xi32, #tpu.memory_space<vmem>> -> memref<1x128xi32, #tpu.memory_space<vmem>>
    %dma_start3A_89 = tpu.memref_squeeze %dma_start3A_88 : memref<1x128xi32, #tpu.memory_space<vmem>> -> memref<128xi32, #tpu.memory_space<vmem>>
    %dma_start3A_90 = arith.constant 0 : i32
    %dma_start3A_91 = arith.constant 0 : i32
    %dma_start3A_92 = tpu.memref_slice %arg5[%dma_start3A_90, %dma_start3A_91] : memref<1000x128xf32, #tpu.memory_space<vmem_shared>> -> memref<1000x128xf32, #tpu.memory_space<vmem_shared>>
    tpu.enqueue_indirect_dma source(%dma_start3A_92 : memref<1000x128xf32, #tpu.memory_space<vmem_shared>>) target(%arg11 : memref<128x128xf32, #tpu.memory_space<vmem>>) offsets(%dma_start3A_89 : memref<128xi32, #tpu.memory_space<vmem>>) semaphore(%arg16 : memref<!tpu.dma_semaphore, #tpu.memory_space<semaphore_mem>>)
    %dma_wait3A_93 = arith.constant 3 : i32
    %dma_wait3A_94 = arith.constant 0 : i32
    %dma_wait3A_95 = tpu.memref_slice %arg6[%dma_wait3A_93, %dma_wait3A_94] : memref<200x128xi32, #tpu.memory_space<vmem>> -> memref<1x128xi32, #tpu.memory_space<vmem>>
    %dma_wait3A_96 = tpu.memref_squeeze %dma_wait3A_95 : memref<1x128xi32, #tpu.memory_space<vmem>> -> memref<128xi32, #tpu.memory_space<vmem>>
    %dma_wait3A_97 = arith.constant 0 : i32
    %dma_wait3A_98 = arith.constant 0 : i32
    %dma_wait3A_99 = tpu.memref_slice %arg5[%dma_wait3A_97, %dma_wait3A_98] : memref<1000x128xf32, #tpu.memory_space<vmem_shared>> -> memref<1000x128xf32, #tpu.memory_space<vmem_shared>>
    tpu.wait_indirect_dma semaphore(%arg15 : memref<!tpu.dma_semaphore, #tpu.memory_space<semaphore_mem>>) src(%dma_wait3A_99 : memref<1000x128xf32, #tpu.memory_space<vmem_shared>>) dst(%arg10 : memref<128x128xf32, #tpu.memory_space<vmem>>)
    %add3A_100 = arith.constant 3 : i32
    %add3A_101 = arith.addi %mul3A_2, %add3A_100 : i32
    %dma_start3A_102 = arith.constant 0 : i32
    %dma_start3A_103 = arith.constant 0 : i32
    %dma_start3A_104 = tpu.memref_slice %arg4[%add3A_101, %dma_start3A_102, %dma_start3A_103] : memref<6400x128x128xf32, #tpu.memory_space<hbm>> -> memref<1x128x128xf32, #tpu.memory_space<hbm>>
    %dma_start3A_105 = tpu.memref_squeeze %dma_start3A_104 : memref<1x128x128xf32, #tpu.memory_space<hbm>> -> memref<128x128xf32, #tpu.memory_space<hbm>>
    %dma_start3A_106 = arith.constant 0 : i32
    %dma_start3A_107 = arith.constant 0 : i32
    %dma_start3A_108 = tpu.memref_slice %arg4[%add3A_101, %dma_start3A_106, %dma_start3A_107] : memref<6400x128x128xf32, #tpu.memory_space<hbm>> -> memref<1x128x128xf32, #tpu.memory_space<hbm>>
    %dma_start3A_109 = tpu.memref_squeeze %dma_start3A_108 : memref<1x128x128xf32, #tpu.memory_space<hbm>> -> memref<128x128xf32, #tpu.memory_space<hbm>>
    tpu.enqueue_dma source(%arg10 : memref<128x128xf32, #tpu.memory_space<vmem>>) target(%dma_start3A_109 : memref<128x128xf32, #tpu.memory_space<hbm>>) target_semaphore(%arg20 : memref<!tpu.dma_semaphore, #tpu.memory_space<semaphore_mem>>)
    %add3A_110 = arith.constant 0 : i32
    %add3A_111 = arith.addi %mul3A_2, %add3A_110 : i32
    %dma_wait3A_112 = arith.constant 0 : i32
    %dma_wait3A_113 = arith.constant 0 : i32
    %dma_wait3A_114 = tpu.memref_slice %arg4[%add3A_111, %dma_wait3A_112, %dma_wait3A_113] : memref<6400x128x128xf32, #tpu.memory_space<hbm>> -> memref<1x128x128xf32, #tpu.memory_space<hbm>>
    %dma_wait3A_115 = tpu.memref_squeeze %dma_wait3A_114 : memref<1x128x128xf32, #tpu.memory_space<hbm>> -> memref<128x128xf32, #tpu.memory_space<hbm>>
    %dma_wait3A_116 = arith.constant 0 : i32
    %dma_wait3A_117 = arith.constant 0 : i32
    %dma_wait3A_118 = tpu.memref_slice %arg4[%add3A_111, %dma_wait3A_116, %dma_wait3A_117] : memref<6400x128x128xf32, #tpu.memory_space<hbm>> -> memref<1x128x128xf32, #tpu.memory_space<hbm>>
    %dma_wait3A_119 = tpu.memref_squeeze %dma_wait3A_118 : memref<1x128x128xf32, #tpu.memory_space<hbm>> -> memref<128x128xf32, #tpu.memory_space<hbm>>
    tpu.wait_dma2 semaphore(%arg17 : memref<!tpu.dma_semaphore, #tpu.memory_space<semaphore_mem>>) src(%arg7 : memref<128x128xf32, #tpu.memory_space<vmem>>) dst(%dma_wait3A_119 : memref<128x128xf32, #tpu.memory_space<hbm>>)
    %dma_start3A_120 = arith.constant 5 : i32
    %dma_start3A_121 = arith.constant 0 : i32
    %dma_start3A_122 = tpu.memref_slice %arg6[%dma_start3A_120, %dma_start3A_121] : memref<200x128xi32, #tpu.memory_space<vmem>> -> memref<1x128xi32, #tpu.memory_space<vmem>>
    %dma_start3A_123 = tpu.memref_squeeze %dma_start3A_122 : memref<1x128xi32, #tpu.memory_space<vmem>> -> memref<128xi32, #tpu.memory_space<vmem>>
    %dma_start3A_124 = arith.constant 0 : i32
    %dma_start3A_125 = arith.constant 0 : i32
    %dma_start3A_126 = tpu.memref_slice %arg5[%dma_start3A_124, %dma_start3A_125] : memref<1000x128xf32, #tpu.memory_space<vmem_shared>> -> memref<1000x128xf32, #tpu.memory_space<vmem_shared>>
    tpu.enqueue_indirect_dma source(%dma_start3A_126 : memref<1000x128xf32, #tpu.memory_space<vmem_shared>>) target(%arg7 : memref<128x128xf32, #tpu.memory_space<vmem>>) offsets(%dma_start3A_123 : memref<128xi32, #tpu.memory_space<vmem>>) semaphore(%arg12 : memref<!tpu.dma_semaphore, #tpu.memory_space<semaphore_mem>>)
    %dma_wait3A_127 = arith.constant 4 : i32
    %dma_wait3A_128 = arith.constant 0 : i32
    %dma_wait3A_129 = tpu.memref_slice %arg6[%dma_wait3A_127, %dma_wait3A_128] : memref<200x128xi32, #tpu.memory_space<vmem>> -> memref<1x128xi32, #tpu.memory_space<vmem>>
    %dma_wait3A_130 = tpu.memref_squeeze %dma_wait3A_129 : memref<1x128xi32, #tpu.memory_space<vmem>> -> memref<128xi32, #tpu.memory_space<vmem>>
    %dma_wait3A_131 = arith.constant 0 : i32
    %dma_wait3A_132 = arith.constant 0 : i32
    %dma_wait3A_133 = tpu.memref_slice %arg5[%dma_wait3A_131, %dma_wait3A_132] : memref<1000x128xf32, #tpu.memory_space<vmem_shared>> -> memref<1000x128xf32, #tpu.memory_space<vmem_shared>>
    tpu.wait_indirect_dma semaphore(%arg16 : memref<!tpu.dma_semaphore, #tpu.memory_space<semaphore_mem>>) src(%dma_wait3A_133 : memref<1000x128xf32, #tpu.memory_space<vmem_shared>>) dst(%arg11 : memref<128x128xf32, #tpu.memory_space<vmem>>)
    %add3A_134 = arith.constant 4 : i32
    %add3A_135 = arith.addi %mul3A_2, %add3A_134 : i32
    %dma_start3A_136 = arith.constant 0 : i32
    %dma_start3A_137 = arith.constant 0 : i32
    %dma_start3A_138 = tpu.memref_slice %arg4[%add3A_135, %dma_start3A_136, %dma_start3A_137] : memref<6400x128x128xf32, #tpu.memory_space<hbm>> -> memref<1x128x128xf32, #tpu.memory_space<hbm>>
    %dma_start3A_139 = tpu.memref_squeeze %dma_start3A_138 : memref<1x128x128xf32, #tpu.memory_space<hbm>> -> memref<128x128xf32, #tpu.memory_space<hbm>>
    %dma_start3A_140 = arith.constant 0 : i32
    %dma_start3A_141 = arith.constant 0 : i32
    %dma_start3A_142 = tpu.memref_slice %arg4[%add3A_135, %dma_start3A_140, %dma_start3A_141] : memref<6400x128x128xf32, #tpu.memory_space<hbm>> -> memref<1x128x128xf32, #tpu.memory_space<hbm>>
    %dma_start3A_143 = tpu.memref_squeeze %dma_start3A_142 : memref<1x128x128xf32, #tpu.memory_space<hbm>> -> memref<128x128xf32, #tpu.memory_space<hbm>>
    tpu.enqueue_dma source(%arg11 : memref<128x128xf32, #tpu.memory_space<vmem>>) target(%dma_start3A_143 : memref<128x128xf32, #tpu.memory_space<hbm>>) target_semaphore(%arg21 : memref<!tpu.dma_semaphore, #tpu.memory_space<semaphore_mem>>)
    %add3A_144 = arith.constant 1 : i32
    %add3A_145 = arith.addi %mul3A_2, %add3A_144 : i32
    %dma_wait3A_146 = arith.constant 0 : i32
    %dma_wait3A_147 = arith.constant 0 : i32
    %dma_wait3A_148 = tpu.memref_slice %arg4[%add3A_145, %dma_wait3A_146, %dma_wait3A_147] : memref<6400x128x128xf32, #tpu.memory_space<hbm>> -> memref<1x128x128xf32, #tpu.memory_space<hbm>>
    %dma_wait3A_149 = tpu.memref_squeeze %dma_wait3A_148 : memref<1x128x128xf32, #tpu.memory_space<hbm>> -> memref<128x128xf32, #tpu.memory_space<hbm>>
    %dma_wait3A_150 = arith.constant 0 : i32
    %dma_wait3A_151 = arith.constant 0 : i32
    %dma_wait3A_152 = tpu.memref_slice %arg4[%add3A_145, %dma_wait3A_150, %dma_wait3A_151] : memref<6400x128x128xf32, #tpu.memory_space<hbm>> -> memref<1x128x128xf32, #tpu.memory_space<hbm>>
    %dma_wait3A_153 = tpu.memref_squeeze %dma_wait3A_152 : memref<1x128x128xf32, #tpu.memory_space<hbm>> -> memref<128x128xf32, #tpu.memory_space<hbm>>
    tpu.wait_dma2 semaphore(%arg18 : memref<!tpu.dma_semaphore, #tpu.memory_space<semaphore_mem>>) src(%arg8 : memref<128x128xf32, #tpu.memory_space<vmem>>) dst(%dma_wait3A_153 : memref<128x128xf32, #tpu.memory_space<hbm>>)
    %dma_start3A_154 = arith.constant 6 : i32
    %dma_start3A_155 = arith.constant 0 : i32
    %dma_start3A_156 = tpu.memref_slice %arg6[%dma_start3A_154, %dma_start3A_155] : memref<200x128xi32, #tpu.memory_space<vmem>> -> memref<1x128xi32, #tpu.memory_space<vmem>>
    %dma_start3A_157 = tpu.memref_squeeze %dma_start3A_156 : memref<1x128xi32, #tpu.memory_space<vmem>> -> memref<128xi32, #tpu.memory_space<vmem>>
    %dma_start3A_158 = arith.constant 0 : i32
    %dma_start3A_159 = arith.constant 0 : i32
    %dma_start3A_160 = tpu.memref_slice %arg5[%dma_start3A_158, %dma_start3A_159] : memref<1000x128xf32, #tpu.memory_space<vmem_shared>> -> memref<1000x128xf32, #tpu.memory_space<vmem_shared>>
    tpu.enqueue_indirect_dma source(%dma_start3A_160 : memref<1000x128xf32, #tpu.memory_space<vmem_shared>>) target(%arg8 : memref<128x128xf32, #tpu.memory_space<vmem>>) offsets(%dma_start3A_157 : memref<128xi32, #tpu.memory_space<vmem>>) semaphore(%arg13 : memref<!tpu.dma_semaphore, #tpu.memory_space<semaphore_mem>>)
    %scan3A = arith.constant 1 : i32
    %scan3A_161 = arith.constant 38 : i32
    %scan3A_162 = arith.addi %scan3A, %scan3A_161 : i32
    %scan3A_163 = arith.constant 1 : i32
    scf.for %scan3A_351 = %scan3A to %scan3A_162 step %scan3A_163  : i32 {
      %mul3A_352 = arith.constant 5 : i32
      %mul3A_353 = arith.muli %scan3A_351, %mul3A_352 : i32
      %add3A_354 = arith.constant 0 : i32
      %add3A_355 = arith.addi %mul3A_353, %add3A_354 : i32
      %dma_wait3A_356 = arith.constant 0 : i32
      %dma_wait3A_357 = tpu.memref_slice %arg6[%add3A_355, %dma_wait3A_356] : memref<200x128xi32, #tpu.memory_space<vmem>> -> memref<1x128xi32, #tpu.memory_space<vmem>>
      %dma_wait3A_358 = tpu.memref_squeeze %dma_wait3A_357 : memref<1x128xi32, #tpu.memory_space<vmem>> -> memref<128xi32, #tpu.memory_space<vmem>>
      %dma_wait3A_359 = arith.constant 0 : i32
      %dma_wait3A_360 = arith.constant 0 : i32
      %dma_wait3A_361 = tpu.memref_slice %arg5[%dma_wait3A_359, %dma_wait3A_360] : memref<1000x128xf32, #tpu.memory_space<vmem_shared>> -> memref<1000x128xf32, #tpu.memory_space<vmem_shared>>
      tpu.wait_indirect_dma semaphore(%arg12 : memref<!tpu.dma_semaphore, #tpu.memory_space<semaphore_mem>>) src(%dma_wait3A_361 : memref<1000x128xf32, #tpu.memory_space<vmem_shared>>) dst(%arg7 : memref<128x128xf32, #tpu.memory_space<vmem>>)
      %add3A_362 = arith.addi %mul3A_2, %add3A_355 : i32
      %dma_start3A_363 = arith.constant 0 : i32
      %dma_start3A_364 = arith.constant 0 : i32
      %dma_start3A_365 = tpu.memref_slice %arg4[%add3A_362, %dma_start3A_363, %dma_start3A_364] : memref<6400x128x128xf32, #tpu.memory_space<hbm>> -> memref<1x128x128xf32, #tpu.memory_space<hbm>>
      %dma_start3A_366 = tpu.memref_squeeze %dma_start3A_365 : memref<1x128x128xf32, #tpu.memory_space<hbm>> -> memref<128x128xf32, #tpu.memory_space<hbm>>
      %dma_start3A_367 = arith.constant 0 : i32
      %dma_start3A_368 = arith.constant 0 : i32
      %dma_start3A_369 = tpu.memref_slice %arg4[%add3A_362, %dma_start3A_367, %dma_start3A_368] : memref<6400x128x128xf32, #tpu.memory_space<hbm>> -> memref<1x128x128xf32, #tpu.memory_space<hbm>>
      %dma_start3A_370 = tpu.memref_squeeze %dma_start3A_369 : memref<1x128x128xf32, #tpu.memory_space<hbm>> -> memref<128x128xf32, #tpu.memory_space<hbm>>
      tpu.enqueue_dma source(%arg7 : memref<128x128xf32, #tpu.memory_space<vmem>>) target(%dma_start3A_370 : memref<128x128xf32, #tpu.memory_space<hbm>>) target_semaphore(%arg17 : memref<!tpu.dma_semaphore, #tpu.memory_space<semaphore_mem>>)
      %add3A_371 = arith.constant 2 : i32
      %add3A_372 = arith.addi %add3A_355, %add3A_371 : i32
      %sub3A = arith.constant 5 : i32
      %sub3A_373 = arith.subi %add3A_372, %sub3A : i32
      %add3A_374 = arith.addi %mul3A_2, %sub3A_373 : i32
      %dma_wait3A_375 = arith.constant 0 : i32
      %dma_wait3A_376 = arith.constant 0 : i32
      %dma_wait3A_377 = tpu.memref_slice %arg4[%add3A_374, %dma_wait3A_375, %dma_wait3A_376] : memref<6400x128x128xf32, #tpu.memory_space<hbm>> -> memref<1x128x128xf32, #tpu.memory_space<hbm>>
      %dma_wait3A_378 = tpu.memref_squeeze %dma_wait3A_377 : memref<1x128x128xf32, #tpu.memory_space<hbm>> -> memref<128x128xf32, #tpu.memory_space<hbm>>
      %dma_wait3A_379 = arith.constant 0 : i32
      %dma_wait3A_380 = arith.constant 0 : i32
      %dma_wait3A_381 = tpu.memref_slice %arg4[%add3A_374, %dma_wait3A_379, %dma_wait3A_380] : memref<6400x128x128xf32, #tpu.memory_space<hbm>> -> memref<1x128x128xf32, #tpu.memory_space<hbm>>
      %dma_wait3A_382 = tpu.memref_squeeze %dma_wait3A_381 : memref<1x128x128xf32, #tpu.memory_space<hbm>> -> memref<128x128xf32, #tpu.memory_space<hbm>>
      tpu.wait_dma2 semaphore(%arg19 : memref<!tpu.dma_semaphore, #tpu.memory_space<semaphore_mem>>) src(%arg9 : memref<128x128xf32, #tpu.memory_space<vmem>>) dst(%dma_wait3A_382 : memref<128x128xf32, #tpu.memory_space<hbm>>)
      %add3A_383 = arith.constant 2 : i32
      %add3A_384 = arith.addi %add3A_355, %add3A_383 : i32
      %dma_start3A_385 = arith.constant 0 : i32
      %dma_start3A_386 = tpu.memref_slice %arg6[%add3A_384, %dma_start3A_385] : memref<200x128xi32, #tpu.memory_space<vmem>> -> memref<1x128xi32, #tpu.memory_space<vmem>>
      %dma_start3A_387 = tpu.memref_squeeze %dma_start3A_386 : memref<1x128xi32, #tpu.memory_space<vmem>> -> memref<128xi32, #tpu.memory_space<vmem>>
      %dma_start3A_388 = arith.constant 0 : i32
      %dma_start3A_389 = arith.constant 0 : i32
      %dma_start3A_390 = tpu.memref_slice %arg5[%dma_start3A_388, %dma_start3A_389] : memref<1000x128xf32, #tpu.memory_space<vmem_shared>> -> memref<1000x128xf32, #tpu.memory_space<vmem_shared>>
      tpu.enqueue_indirect_dma source(%dma_start3A_390 : memref<1000x128xf32, #tpu.memory_space<vmem_shared>>) target(%arg9 : memref<128x128xf32, #tpu.memory_space<vmem>>) offsets(%dma_start3A_387 : memref<128xi32, #tpu.memory_space<vmem>>) semaphore(%arg14 : memref<!tpu.dma_semaphore, #tpu.memory_space<semaphore_mem>>)
      %mul3A_391 = arith.constant 5 : i32
      %mul3A_392 = arith.muli %scan3A_351, %mul3A_391 : i32
      %add3A_393 = arith.constant 1 : i32
      %add3A_394 = arith.addi %mul3A_392, %add3A_393 : i32
      %dma_wait3A_395 = arith.constant 0 : i32
      %dma_wait3A_396 = tpu.memref_slice %arg6[%add3A_394, %dma_wait3A_395] : memref<200x128xi32, #tpu.memory_space<vmem>> -> memref<1x128xi32, #tpu.memory_space<vmem>>
      %dma_wait3A_397 = tpu.memref_squeeze %dma_wait3A_396 : memref<1x128xi32, #tpu.memory_space<vmem>> -> memref<128xi32, #tpu.memory_space<vmem>>
      %dma_wait3A_398 = arith.constant 0 : i32
      %dma_wait3A_399 = arith.constant 0 : i32
      %dma_wait3A_400 = tpu.memref_slice %arg5[%dma_wait3A_398, %dma_wait3A_399] : memref<1000x128xf32, #tpu.memory_space<vmem_shared>> -> memref<1000x128xf32, #tpu.memory_space<vmem_shared>>
      tpu.wait_indirect_dma semaphore(%arg13 : memref<!tpu.dma_semaphore, #tpu.memory_space<semaphore_mem>>) src(%dma_wait3A_400 : memref<1000x128xf32, #tpu.memory_space<vmem_shared>>) dst(%arg8 : memref<128x128xf32, #tpu.memory_space<vmem>>)
      %add3A_401 = arith.addi %mul3A_2, %add3A_394 : i32
      %dma_start3A_402 = arith.constant 0 : i32
      %dma_start3A_403 = arith.constant 0 : i32
      %dma_start3A_404 = tpu.memref_slice %arg4[%add3A_401, %dma_start3A_402, %dma_start3A_403] : memref<6400x128x128xf32, #tpu.memory_space<hbm>> -> memref<1x128x128xf32, #tpu.memory_space<hbm>>
      %dma_start3A_405 = tpu.memref_squeeze %dma_start3A_404 : memref<1x128x128xf32, #tpu.memory_space<hbm>> -> memref<128x128xf32, #tpu.memory_space<hbm>>
      %dma_start3A_406 = arith.constant 0 : i32
      %dma_start3A_407 = arith.constant 0 : i32
      %dma_start3A_408 = tpu.memref_slice %arg4[%add3A_401, %dma_start3A_406, %dma_start3A_407] : memref<6400x128x128xf32, #tpu.memory_space<hbm>> -> memref<1x128x128xf32, #tpu.memory_space<hbm>>
      %dma_start3A_409 = tpu.memref_squeeze %dma_start3A_408 : memref<1x128x128xf32, #tpu.memory_space<hbm>> -> memref<128x128xf32, #tpu.memory_space<hbm>>
      tpu.enqueue_dma source(%arg8 : memref<128x128xf32, #tpu.memory_space<vmem>>) target(%dma_start3A_409 : memref<128x128xf32, #tpu.memory_space<hbm>>) target_semaphore(%arg18 : memref<!tpu.dma_semaphore, #tpu.memory_space<semaphore_mem>>)
      %add3A_410 = arith.constant 2 : i32
      %add3A_411 = arith.addi %add3A_394, %add3A_410 : i32
      %sub3A_412 = arith.constant 5 : i32
      %sub3A_413 = arith.subi %add3A_411, %sub3A_412 : i32
      %add3A_414 = arith.addi %mul3A_2, %sub3A_413 : i32
      %dma_wait3A_415 = arith.constant 0 : i32
      %dma_wait3A_416 = arith.constant 0 : i32
      %dma_wait3A_417 = tpu.memref_slice %arg4[%add3A_414, %dma_wait3A_415, %dma_wait3A_416] : memref<6400x128x128xf32, #tpu.memory_space<hbm>> -> memref<1x128x128xf32, #tpu.memory_space<hbm>>
      %dma_wait3A_418 = tpu.memref_squeeze %dma_wait3A_417 : memref<1x128x128xf32, #tpu.memory_space<hbm>> -> memref<128x128xf32, #tpu.memory_space<hbm>>
      %dma_wait3A_419 = arith.constant 0 : i32
      %dma_wait3A_420 = arith.constant 0 : i32
      %dma_wait3A_421 = tpu.memref_slice %arg4[%add3A_414, %dma_wait3A_419, %dma_wait3A_420] : memref<6400x128x128xf32, #tpu.memory_space<hbm>> -> memref<1x128x128xf32, #tpu.memory_space<hbm>>
      %dma_wait3A_422 = tpu.memref_squeeze %dma_wait3A_421 : memref<1x128x128xf32, #tpu.memory_space<hbm>> -> memref<128x128xf32, #tpu.memory_space<hbm>>
      tpu.wait_dma2 semaphore(%arg20 : memref<!tpu.dma_semaphore, #tpu.memory_space<semaphore_mem>>) src(%arg10 : memref<128x128xf32, #tpu.memory_space<vmem>>) dst(%dma_wait3A_422 : memref<128x128xf32, #tpu.memory_space<hbm>>)
      %add3A_423 = arith.constant 2 : i32
      %add3A_424 = arith.addi %add3A_394, %add3A_423 : i32
      %dma_start3A_425 = arith.constant 0 : i32
      %dma_start3A_426 = tpu.memref_slice %arg6[%add3A_424, %dma_start3A_425] : memref<200x128xi32, #tpu.memory_space<vmem>> -> memref<1x128xi32, #tpu.memory_space<vmem>>
      %dma_start3A_427 = tpu.memref_squeeze %dma_start3A_426 : memref<1x128xi32, #tpu.memory_space<vmem>> -> memref<128xi32, #tpu.memory_space<vmem>>
      %dma_start3A_428 = arith.constant 0 : i32
      %dma_start3A_429 = arith.constant 0 : i32
      %dma_start3A_430 = tpu.memref_slice %arg5[%dma_start3A_428, %dma_start3A_429] : memref<1000x128xf32, #tpu.memory_space<vmem_shared>> -> memref<1000x128xf32, #tpu.memory_space<vmem_shared>>
      tpu.enqueue_indirect_dma source(%dma_start3A_430 : memref<1000x128xf32, #tpu.memory_space<vmem_shared>>) target(%arg10 : memref<128x128xf32, #tpu.memory_space<vmem>>) offsets(%dma_start3A_427 : memref<128xi32, #tpu.memory_space<vmem>>) semaphore(%arg15 : memref<!tpu.dma_semaphore, #tpu.memory_space<semaphore_mem>>)
      %mul3A_431 = arith.constant 5 : i32
      %mul3A_432 = arith.muli %scan3A_351, %mul3A_431 : i32
      %add3A_433 = arith.constant 2 : i32
      %add3A_434 = arith.addi %mul3A_432, %add3A_433 : i32
      %dma_wait3A_435 = arith.constant 0 : i32
      %dma_wait3A_436 = tpu.memref_slice %arg6[%add3A_434, %dma_wait3A_435] : memref<200x128xi32, #tpu.memory_space<vmem>> -> memref<1x128xi32, #tpu.memory_space<vmem>>
      %dma_wait3A_437 = tpu.memref_squeeze %dma_wait3A_436 : memref<1x128xi32, #tpu.memory_space<vmem>> -> memref<128xi32, #tpu.memory_space<vmem>>
      %dma_wait3A_438 = arith.constant 0 : i32
      %dma_wait3A_439 = arith.constant 0 : i32
      %dma_wait3A_440 = tpu.memref_slice %arg5[%dma_wait3A_438, %dma_wait3A_439] : memref<1000x128xf32, #tpu.memory_space<vmem_shared>> -> memref<1000x128xf32, #tpu.memory_space<vmem_shared>>
      tpu.wait_indirect_dma semaphore(%arg14 : memref<!tpu.dma_semaphore, #tpu.memory_space<semaphore_mem>>) src(%dma_wait3A_440 : memref<1000x128xf32, #tpu.memory_space<vmem_shared>>) dst(%arg9 : memref<128x128xf32, #tpu.memory_space<vmem>>)
      %add3A_441 = arith.addi %mul3A_2, %add3A_434 : i32
      %dma_start3A_442 = arith.constant 0 : i32
      %dma_start3A_443 = arith.constant 0 : i32
      %dma_start3A_444 = tpu.memref_slice %arg4[%add3A_441, %dma_start3A_442, %dma_start3A_443] : memref<6400x128x128xf32, #tpu.memory_space<hbm>> -> memref<1x128x128xf32, #tpu.memory_space<hbm>>
      %dma_start3A_445 = tpu.memref_squeeze %dma_start3A_444 : memref<1x128x128xf32, #tpu.memory_space<hbm>> -> memref<128x128xf32, #tpu.memory_space<hbm>>
      %dma_start3A_446 = arith.constant 0 : i32
      %dma_start3A_447 = arith.constant 0 : i32
      %dma_start3A_448 = tpu.memref_slice %arg4[%add3A_441, %dma_start3A_446, %dma_start3A_447] : memref<6400x128x128xf32, #tpu.memory_space<hbm>> -> memref<1x128x128xf32, #tpu.memory_space<hbm>>
      %dma_start3A_449 = tpu.memref_squeeze %dma_start3A_448 : memref<1x128x128xf32, #tpu.memory_space<hbm>> -> memref<128x128xf32, #tpu.memory_space<hbm>>
      tpu.enqueue_dma source(%arg9 : memref<128x128xf32, #tpu.memory_space<vmem>>) target(%dma_start3A_449 : memref<128x128xf32, #tpu.memory_space<hbm>>) target_semaphore(%arg19 : memref<!tpu.dma_semaphore, #tpu.memory_space<semaphore_mem>>)
      %add3A_450 = arith.constant 2 : i32
      %add3A_451 = arith.addi %add3A_434, %add3A_450 : i32
      %sub3A_452 = arith.constant 5 : i32
      %sub3A_453 = arith.subi %add3A_451, %sub3A_452 : i32
      %add3A_454 = arith.addi %mul3A_2, %sub3A_453 : i32
      %dma_wait3A_455 = arith.constant 0 : i32
      %dma_wait3A_456 = arith.constant 0 : i32
      %dma_wait3A_457 = tpu.memref_slice %arg4[%add3A_454, %dma_wait3A_455, %dma_wait3A_456] : memref<6400x128x128xf32, #tpu.memory_space<hbm>> -> memref<1x128x128xf32, #tpu.memory_space<hbm>>
      %dma_wait3A_458 = tpu.memref_squeeze %dma_wait3A_457 : memref<1x128x128xf32, #tpu.memory_space<hbm>> -> memref<128x128xf32, #tpu.memory_space<hbm>>
      %dma_wait3A_459 = arith.constant 0 : i32
      %dma_wait3A_460 = arith.constant 0 : i32
      %dma_wait3A_461 = tpu.memref_slice %arg4[%add3A_454, %dma_wait3A_459, %dma_wait3A_460] : memref<6400x128x128xf32, #tpu.memory_space<hbm>> -> memref<1x128x128xf32, #tpu.memory_space<hbm>>
      %dma_wait3A_462 = tpu.memref_squeeze %dma_wait3A_461 : memref<1x128x128xf32, #tpu.memory_space<hbm>> -> memref<128x128xf32, #tpu.memory_space<hbm>>
      tpu.wait_dma2 semaphore(%arg21 : memref<!tpu.dma_semaphore, #tpu.memory_space<semaphore_mem>>) src(%arg11 : memref<128x128xf32, #tpu.memory_space<vmem>>) dst(%dma_wait3A_462 : memref<128x128xf32, #tpu.memory_space<hbm>>)
      %add3A_463 = arith.constant 2 : i32
      %add3A_464 = arith.addi %add3A_434, %add3A_463 : i32
      %dma_start3A_465 = arith.constant 0 : i32
      %dma_start3A_466 = tpu.memref_slice %arg6[%add3A_464, %dma_start3A_465] : memref<200x128xi32, #tpu.memory_space<vmem>> -> memref<1x128xi32, #tpu.memory_space<vmem>>
      %dma_start3A_467 = tpu.memref_squeeze %dma_start3A_466 : memref<1x128xi32, #tpu.memory_space<vmem>> -> memref<128xi32, #tpu.memory_space<vmem>>
      %dma_start3A_468 = arith.constant 0 : i32
      %dma_start3A_469 = arith.constant 0 : i32
      %dma_start3A_470 = tpu.memref_slice %arg5[%dma_start3A_468, %dma_start3A_469] : memref<1000x128xf32, #tpu.memory_space<vmem_shared>> -> memref<1000x128xf32, #tpu.memory_space<vmem_shared>>
      tpu.enqueue_indirect_dma source(%dma_start3A_470 : memref<1000x128xf32, #tpu.memory_space<vmem_shared>>) target(%arg11 : memref<128x128xf32, #tpu.memory_space<vmem>>) offsets(%dma_start3A_467 : memref<128xi32, #tpu.memory_space<vmem>>) semaphore(%arg16 : memref<!tpu.dma_semaphore, #tpu.memory_space<semaphore_mem>>)
      %mul3A_471 = arith.constant 5 : i32
      %mul3A_472 = arith.muli %scan3A_351, %mul3A_471 : i32
      %add3A_473 = arith.constant 3 : i32
      %add3A_474 = arith.addi %mul3A_472, %add3A_473 : i32
      %dma_wait3A_475 = arith.constant 0 : i32
      %dma_wait3A_476 = tpu.memref_slice %arg6[%add3A_474, %dma_wait3A_475] : memref<200x128xi32, #tpu.memory_space<vmem>> -> memref<1x128xi32, #tpu.memory_space<vmem>>
      %dma_wait3A_477 = tpu.memref_squeeze %dma_wait3A_476 : memref<1x128xi32, #tpu.memory_space<vmem>> -> memref<128xi32, #tpu.memory_space<vmem>>
      %dma_wait3A_478 = arith.constant 0 : i32
      %dma_wait3A_479 = arith.constant 0 : i32
      %dma_wait3A_480 = tpu.memref_slice %arg5[%dma_wait3A_478, %dma_wait3A_479] : memref<1000x128xf32, #tpu.memory_space<vmem_shared>> -> memref<1000x128xf32, #tpu.memory_space<vmem_shared>>
      tpu.wait_indirect_dma semaphore(%arg15 : memref<!tpu.dma_semaphore, #tpu.memory_space<semaphore_mem>>) src(%dma_wait3A_480 : memref<1000x128xf32, #tpu.memory_space<vmem_shared>>) dst(%arg10 : memref<128x128xf32, #tpu.memory_space<vmem>>)
      %add3A_481 = arith.addi %mul3A_2, %add3A_474 : i32
      %dma_start3A_482 = arith.constant 0 : i32
      %dma_start3A_483 = arith.constant 0 : i32
      %dma_start3A_484 = tpu.memref_slice %arg4[%add3A_481, %dma_start3A_482, %dma_start3A_483] : memref<6400x128x128xf32, #tpu.memory_space<hbm>> -> memref<1x128x128xf32, #tpu.memory_space<hbm>>
      %dma_start3A_485 = tpu.memref_squeeze %dma_start3A_484 : memref<1x128x128xf32, #tpu.memory_space<hbm>> -> memref<128x128xf32, #tpu.memory_space<hbm>>
      %dma_start3A_486 = arith.constant 0 : i32
      %dma_start3A_487 = arith.constant 0 : i32
      %dma_start3A_488 = tpu.memref_slice %arg4[%add3A_481, %dma_start3A_486, %dma_start3A_487] : memref<6400x128x128xf32, #tpu.memory_space<hbm>> -> memref<1x128x128xf32, #tpu.memory_space<hbm>>
      %dma_start3A_489 = tpu.memref_squeeze %dma_start3A_488 : memref<1x128x128xf32, #tpu.memory_space<hbm>> -> memref<128x128xf32, #tpu.memory_space<hbm>>
      tpu.enqueue_dma source(%arg10 : memref<128x128xf32, #tpu.memory_space<vmem>>) target(%dma_start3A_489 : memref<128x128xf32, #tpu.memory_space<hbm>>) target_semaphore(%arg20 : memref<!tpu.dma_semaphore, #tpu.memory_space<semaphore_mem>>)
      %add3A_490 = arith.constant 2 : i32
      %add3A_491 = arith.addi %add3A_474, %add3A_490 : i32
      %sub3A_492 = arith.constant 5 : i32
      %sub3A_493 = arith.subi %add3A_491, %sub3A_492 : i32
      %add3A_494 = arith.addi %mul3A_2, %sub3A_493 : i32
      %dma_wait3A_495 = arith.constant 0 : i32
      %dma_wait3A_496 = arith.constant 0 : i32
      %dma_wait3A_497 = tpu.memref_slice %arg4[%add3A_494, %dma_wait3A_495, %dma_wait3A_496] : memref<6400x128x128xf32, #tpu.memory_space<hbm>> -> memref<1x128x128xf32, #tpu.memory_space<hbm>>
      %dma_wait3A_498 = tpu.memref_squeeze %dma_wait3A_497 : memref<1x128x128xf32, #tpu.memory_space<hbm>> -> memref<128x128xf32, #tpu.memory_space<hbm>>
      %dma_wait3A_499 = arith.constant 0 : i32
      %dma_wait3A_500 = arith.constant 0 : i32
      %dma_wait3A_501 = tpu.memref_slice %arg4[%add3A_494, %dma_wait3A_499, %dma_wait3A_500] : memref<6400x128x128xf32, #tpu.memory_space<hbm>> -> memref<1x128x128xf32, #tpu.memory_space<hbm>>
      %dma_wait3A_502 = tpu.memref_squeeze %dma_wait3A_501 : memref<1x128x128xf32, #tpu.memory_space<hbm>> -> memref<128x128xf32, #tpu.memory_space<hbm>>
      tpu.wait_dma2 semaphore(%arg17 : memref<!tpu.dma_semaphore, #tpu.memory_space<semaphore_mem>>) src(%arg7 : memref<128x128xf32, #tpu.memory_space<vmem>>) dst(%dma_wait3A_502 : memref<128x128xf32, #tpu.memory_space<hbm>>)
      %add3A_503 = arith.constant 2 : i32
      %add3A_504 = arith.addi %add3A_474, %add3A_503 : i32
      %dma_start3A_505 = arith.constant 0 : i32
      %dma_start3A_506 = tpu.memref_slice %arg6[%add3A_504, %dma_start3A_505] : memref<200x128xi32, #tpu.memory_space<vmem>> -> memref<1x128xi32, #tpu.memory_space<vmem>>
      %dma_start3A_507 = tpu.memref_squeeze %dma_start3A_506 : memref<1x128xi32, #tpu.memory_space<vmem>> -> memref<128xi32, #tpu.memory_space<vmem>>
      %dma_start3A_508 = arith.constant 0 : i32
      %dma_start3A_509 = arith.constant 0 : i32
      %dma_start3A_510 = tpu.memref_slice %arg5[%dma_start3A_508, %dma_start3A_509] : memref<1000x128xf32, #tpu.memory_space<vmem_shared>> -> memref<1000x128xf32, #tpu.memory_space<vmem_shared>>
      tpu.enqueue_indirect_dma source(%dma_start3A_510 : memref<1000x128xf32, #tpu.memory_space<vmem_shared>>) target(%arg7 : memref<128x128xf32, #tpu.memory_space<vmem>>) offsets(%dma_start3A_507 : memref<128xi32, #tpu.memory_space<vmem>>) semaphore(%arg12 : memref<!tpu.dma_semaphore, #tpu.memory_space<semaphore_mem>>)
      %mul3A_511 = arith.constant 5 : i32
      %mul3A_512 = arith.muli %scan3A_351, %mul3A_511 : i32
      %add3A_513 = arith.constant 4 : i32
      %add3A_514 = arith.addi %mul3A_512, %add3A_513 : i32
      %dma_wait3A_515 = arith.constant 0 : i32
      %dma_wait3A_516 = tpu.memref_slice %arg6[%add3A_514, %dma_wait3A_515] : memref<200x128xi32, #tpu.memory_space<vmem>> -> memref<1x128xi32, #tpu.memory_space<vmem>>
      %dma_wait3A_517 = tpu.memref_squeeze %dma_wait3A_516 : memref<1x128xi32, #tpu.memory_space<vmem>> -> memref<128xi32, #tpu.memory_space<vmem>>
      %dma_wait3A_518 = arith.constant 0 : i32
      %dma_wait3A_519 = arith.constant 0 : i32
      %dma_wait3A_520 = tpu.memref_slice %arg5[%dma_wait3A_518, %dma_wait3A_519] : memref<1000x128xf32, #tpu.memory_space<vmem_shared>> -> memref<1000x128xf32, #tpu.memory_space<vmem_shared>>
      tpu.wait_indirect_dma semaphore(%arg16 : memref<!tpu.dma_semaphore, #tpu.memory_space<semaphore_mem>>) src(%dma_wait3A_520 : memref<1000x128xf32, #tpu.memory_space<vmem_shared>>) dst(%arg11 : memref<128x128xf32, #tpu.memory_space<vmem>>)
      %add3A_521 = arith.addi %mul3A_2, %add3A_514 : i32
      %dma_start3A_522 = arith.constant 0 : i32
      %dma_start3A_523 = arith.constant 0 : i32
      %dma_start3A_524 = tpu.memref_slice %arg4[%add3A_521, %dma_start3A_522, %dma_start3A_523] : memref<6400x128x128xf32, #tpu.memory_space<hbm>> -> memref<1x128x128xf32, #tpu.memory_space<hbm>>
      %dma_start3A_525 = tpu.memref_squeeze %dma_start3A_524 : memref<1x128x128xf32, #tpu.memory_space<hbm>> -> memref<128x128xf32, #tpu.memory_space<hbm>>
      %dma_start3A_526 = arith.constant 0 : i32
      %dma_start3A_527 = arith.constant 0 : i32
      %dma_start3A_528 = tpu.memref_slice %arg4[%add3A_521, %dma_start3A_526, %dma_start3A_527] : memref<6400x128x128xf32, #tpu.memory_space<hbm>> -> memref<1x128x128xf32, #tpu.memory_space<hbm>>
      %dma_start3A_529 = tpu.memref_squeeze %dma_start3A_528 : memref<1x128x128xf32, #tpu.memory_space<hbm>> -> memref<128x128xf32, #tpu.memory_space<hbm>>
      tpu.enqueue_dma source(%arg11 : memref<128x128xf32, #tpu.memory_space<vmem>>) target(%dma_start3A_529 : memref<128x128xf32, #tpu.memory_space<hbm>>) target_semaphore(%arg21 : memref<!tpu.dma_semaphore, #tpu.memory_space<semaphore_mem>>)
      %add3A_530 = arith.constant 2 : i32
      %add3A_531 = arith.addi %add3A_514, %add3A_530 : i32
      %sub3A_532 = arith.constant 5 : i32
      %sub3A_533 = arith.subi %add3A_531, %sub3A_532 : i32
      %add3A_534 = arith.addi %mul3A_2, %sub3A_533 : i32
      %dma_wait3A_535 = arith.constant 0 : i32
      %dma_wait3A_536 = arith.constant 0 : i32
      %dma_wait3A_537 = tpu.memref_slice %arg4[%add3A_534, %dma_wait3A_535, %dma_wait3A_536] : memref<6400x128x128xf32, #tpu.memory_space<hbm>> -> memref<1x128x128xf32, #tpu.memory_space<hbm>>
      %dma_wait3A_538 = tpu.memref_squeeze %dma_wait3A_537 : memref<1x128x128xf32, #tpu.memory_space<hbm>> -> memref<128x128xf32, #tpu.memory_space<hbm>>
      %dma_wait3A_539 = arith.constant 0 : i32
      %dma_wait3A_540 = arith.constant 0 : i32
      %dma_wait3A_541 = tpu.memref_slice %arg4[%add3A_534, %dma_wait3A_539, %dma_wait3A_540] : memref<6400x128x128xf32, #tpu.memory_space<hbm>> -> memref<1x128x128xf32, #tpu.memory_space<hbm>>
      %dma_wait3A_542 = tpu.memref_squeeze %dma_wait3A_541 : memref<1x128x128xf32, #tpu.memory_space<hbm>> -> memref<128x128xf32, #tpu.memory_space<hbm>>
      tpu.wait_dma2 semaphore(%arg18 : memref<!tpu.dma_semaphore, #tpu.memory_space<semaphore_mem>>) src(%arg8 : memref<128x128xf32, #tpu.memory_space<vmem>>) dst(%dma_wait3A_542 : memref<128x128xf32, #tpu.memory_space<hbm>>)
      %add3A_543 = arith.constant 2 : i32
      %add3A_544 = arith.addi %add3A_514, %add3A_543 : i32
      %dma_start3A_545 = arith.constant 0 : i32
      %dma_start3A_546 = tpu.memref_slice %arg6[%add3A_544, %dma_start3A_545] : memref<200x128xi32, #tpu.memory_space<vmem>> -> memref<1x128xi32, #tpu.memory_space<vmem>>
      %dma_start3A_547 = tpu.memref_squeeze %dma_start3A_546 : memref<1x128xi32, #tpu.memory_space<vmem>> -> memref<128xi32, #tpu.memory_space<vmem>>
      %dma_start3A_548 = arith.constant 0 : i32
      %dma_start3A_549 = arith.constant 0 : i32
      %dma_start3A_550 = tpu.memref_slice %arg5[%dma_start3A_548, %dma_start3A_549] : memref<1000x128xf32, #tpu.memory_space<vmem_shared>> -> memref<1000x128xf32, #tpu.memory_space<vmem_shared>>
      tpu.enqueue_indirect_dma source(%dma_start3A_550 : memref<1000x128xf32, #tpu.memory_space<vmem_shared>>) target(%arg8 : memref<128x128xf32, #tpu.memory_space<vmem>>) offsets(%dma_start3A_547 : memref<128xi32, #tpu.memory_space<vmem>>) semaphore(%arg13 : memref<!tpu.dma_semaphore, #tpu.memory_space<semaphore_mem>>)
    }
    %scan3A_164 = arith.constant 38 : i32
    %dma_wait3A_165 = arith.constant 195 : i32
    %dma_wait3A_166 = arith.constant 0 : i32
    %dma_wait3A_167 = tpu.memref_slice %arg6[%dma_wait3A_165, %dma_wait3A_166] : memref<200x128xi32, #tpu.memory_space<vmem>> -> memref<1x128xi32, #tpu.memory_space<vmem>>
    %dma_wait3A_168 = tpu.memref_squeeze %dma_wait3A_167 : memref<1x128xi32, #tpu.memory_space<vmem>> -> memref<128xi32, #tpu.memory_space<vmem>>
    %dma_wait3A_169 = arith.constant 0 : i32
    %dma_wait3A_170 = arith.constant 0 : i32
    %dma_wait3A_171 = tpu.memref_slice %arg5[%dma_wait3A_169, %dma_wait3A_170] : memref<1000x128xf32, #tpu.memory_space<vmem_shared>> -> memref<1000x128xf32, #tpu.memory_space<vmem_shared>>
    tpu.wait_indirect_dma semaphore(%arg12 : memref<!tpu.dma_semaphore, #tpu.memory_space<semaphore_mem>>) src(%dma_wait3A_171 : memref<1000x128xf32, #tpu.memory_space<vmem_shared>>) dst(%arg7 : memref<128x128xf32, #tpu.memory_space<vmem>>)
    %add3A_172 = arith.constant 195 : i32
    %add3A_173 = arith.addi %mul3A_2, %add3A_172 : i32
    %dma_start3A_174 = arith.constant 0 : i32
    %dma_start3A_175 = arith.constant 0 : i32
    %dma_start3A_176 = tpu.memref_slice %arg4[%add3A_173, %dma_start3A_174, %dma_start3A_175] : memref<6400x128x128xf32, #tpu.memory_space<hbm>> -> memref<1x128x128xf32, #tpu.memory_space<hbm>>
    %dma_start3A_177 = tpu.memref_squeeze %dma_start3A_176 : memref<1x128x128xf32, #tpu.memory_space<hbm>> -> memref<128x128xf32, #tpu.memory_space<hbm>>
    %dma_start3A_178 = arith.constant 0 : i32
    %dma_start3A_179 = arith.constant 0 : i32
    %dma_start3A_180 = tpu.memref_slice %arg4[%add3A_173, %dma_start3A_178, %dma_start3A_179] : memref<6400x128x128xf32, #tpu.memory_space<hbm>> -> memref<1x128x128xf32, #tpu.memory_space<hbm>>
    %dma_start3A_181 = tpu.memref_squeeze %dma_start3A_180 : memref<1x128x128xf32, #tpu.memory_space<hbm>> -> memref<128x128xf32, #tpu.memory_space<hbm>>
    tpu.enqueue_dma source(%arg7 : memref<128x128xf32, #tpu.memory_space<vmem>>) target(%dma_start3A_181 : memref<128x128xf32, #tpu.memory_space<hbm>>) target_semaphore(%arg17 : memref<!tpu.dma_semaphore, #tpu.memory_space<semaphore_mem>>)
    %add3A_182 = arith.constant 192 : i32
    %add3A_183 = arith.addi %mul3A_2, %add3A_182 : i32
    %dma_wait3A_184 = arith.constant 0 : i32
    %dma_wait3A_185 = arith.constant 0 : i32
    %dma_wait3A_186 = tpu.memref_slice %arg4[%add3A_183, %dma_wait3A_184, %dma_wait3A_185] : memref<6400x128x128xf32, #tpu.memory_space<hbm>> -> memref<1x128x128xf32, #tpu.memory_space<hbm>>
    %dma_wait3A_187 = tpu.memref_squeeze %dma_wait3A_186 : memref<1x128x128xf32, #tpu.memory_space<hbm>> -> memref<128x128xf32, #tpu.memory_space<hbm>>
    %dma_wait3A_188 = arith.constant 0 : i32
    %dma_wait3A_189 = arith.constant 0 : i32
    %dma_wait3A_190 = tpu.memref_slice %arg4[%add3A_183, %dma_wait3A_188, %dma_wait3A_189] : memref<6400x128x128xf32, #tpu.memory_space<hbm>> -> memref<1x128x128xf32, #tpu.memory_space<hbm>>
    %dma_wait3A_191 = tpu.memref_squeeze %dma_wait3A_190 : memref<1x128x128xf32, #tpu.memory_space<hbm>> -> memref<128x128xf32, #tpu.memory_space<hbm>>
    tpu.wait_dma2 semaphore(%arg19 : memref<!tpu.dma_semaphore, #tpu.memory_space<semaphore_mem>>) src(%arg9 : memref<128x128xf32, #tpu.memory_space<vmem>>) dst(%dma_wait3A_191 : memref<128x128xf32, #tpu.memory_space<hbm>>)
    %dma_start3A_192 = arith.constant 197 : i32
    %dma_start3A_193 = arith.constant 0 : i32
    %dma_start3A_194 = tpu.memref_slice %arg6[%dma_start3A_192, %dma_start3A_193] : memref<200x128xi32, #tpu.memory_space<vmem>> -> memref<1x128xi32, #tpu.memory_space<vmem>>
    %dma_start3A_195 = tpu.memref_squeeze %dma_start3A_194 : memref<1x128xi32, #tpu.memory_space<vmem>> -> memref<128xi32, #tpu.memory_space<vmem>>
    %dma_start3A_196 = arith.constant 0 : i32
    %dma_start3A_197 = arith.constant 0 : i32
    %dma_start3A_198 = tpu.memref_slice %arg5[%dma_start3A_196, %dma_start3A_197] : memref<1000x128xf32, #tpu.memory_space<vmem_shared>> -> memref<1000x128xf32, #tpu.memory_space<vmem_shared>>
    tpu.enqueue_indirect_dma source(%dma_start3A_198 : memref<1000x128xf32, #tpu.memory_space<vmem_shared>>) target(%arg9 : memref<128x128xf32, #tpu.memory_space<vmem>>) offsets(%dma_start3A_195 : memref<128xi32, #tpu.memory_space<vmem>>) semaphore(%arg14 : memref<!tpu.dma_semaphore, #tpu.memory_space<semaphore_mem>>)
    %dma_wait3A_199 = arith.constant 196 : i32
    %dma_wait3A_200 = arith.constant 0 : i32
    %dma_wait3A_201 = tpu.memref_slice %arg6[%dma_wait3A_199, %dma_wait3A_200] : memref<200x128xi32, #tpu.memory_space<vmem>> -> memref<1x128xi32, #tpu.memory_space<vmem>>
    %dma_wait3A_202 = tpu.memref_squeeze %dma_wait3A_201 : memref<1x128xi32, #tpu.memory_space<vmem>> -> memref<128xi32, #tpu.memory_space<vmem>>
    %dma_wait3A_203 = arith.constant 0 : i32
    %dma_wait3A_204 = arith.constant 0 : i32
    %dma_wait3A_205 = tpu.memref_slice %arg5[%dma_wait3A_203, %dma_wait3A_204] : memref<1000x128xf32, #tpu.memory_space<vmem_shared>> -> memref<1000x128xf32, #tpu.memory_space<vmem_shared>>
    tpu.wait_indirect_dma semaphore(%arg13 : memref<!tpu.dma_semaphore, #tpu.memory_space<semaphore_mem>>) src(%dma_wait3A_205 : memref<1000x128xf32, #tpu.memory_space<vmem_shared>>) dst(%arg8 : memref<128x128xf32, #tpu.memory_space<vmem>>)
    %add3A_206 = arith.constant 196 : i32
    %add3A_207 = arith.addi %mul3A_2, %add3A_206 : i32
    %dma_start3A_208 = arith.constant 0 : i32
    %dma_start3A_209 = arith.constant 0 : i32
    %dma_start3A_210 = tpu.memref_slice %arg4[%add3A_207, %dma_start3A_208, %dma_start3A_209] : memref<6400x128x128xf32, #tpu.memory_space<hbm>> -> memref<1x128x128xf32, #tpu.memory_space<hbm>>
    %dma_start3A_211 = tpu.memref_squeeze %dma_start3A_210 : memref<1x128x128xf32, #tpu.memory_space<hbm>> -> memref<128x128xf32, #tpu.memory_space<hbm>>
    %dma_start3A_212 = arith.constant 0 : i32
    %dma_start3A_213 = arith.constant 0 : i32
    %dma_start3A_214 = tpu.memref_slice %arg4[%add3A_207, %dma_start3A_212, %dma_start3A_213] : memref<6400x128x128xf32, #tpu.memory_space<hbm>> -> memref<1x128x128xf32, #tpu.memory_space<hbm>>
    %dma_start3A_215 = tpu.memref_squeeze %dma_start3A_214 : memref<1x128x128xf32, #tpu.memory_space<hbm>> -> memref<128x128xf32, #tpu.memory_space<hbm>>
    tpu.enqueue_dma source(%arg8 : memref<128x128xf32, #tpu.memory_space<vmem>>) target(%dma_start3A_215 : memref<128x128xf32, #tpu.memory_space<hbm>>) target_semaphore(%arg18 : memref<!tpu.dma_semaphore, #tpu.memory_space<semaphore_mem>>)
    %add3A_216 = arith.constant 193 : i32
    %add3A_217 = arith.addi %mul3A_2, %add3A_216 : i32
    %dma_wait3A_218 = arith.constant 0 : i32
    %dma_wait3A_219 = arith.constant 0 : i32
    %dma_wait3A_220 = tpu.memref_slice %arg4[%add3A_217, %dma_wait3A_218, %dma_wait3A_219] : memref<6400x128x128xf32, #tpu.memory_space<hbm>> -> memref<1x128x128xf32, #tpu.memory_space<hbm>>
    %dma_wait3A_221 = tpu.memref_squeeze %dma_wait3A_220 : memref<1x128x128xf32, #tpu.memory_space<hbm>> -> memref<128x128xf32, #tpu.memory_space<hbm>>
    %dma_wait3A_222 = arith.constant 0 : i32
    %dma_wait3A_223 = arith.constant 0 : i32
    %dma_wait3A_224 = tpu.memref_slice %arg4[%add3A_217, %dma_wait3A_222, %dma_wait3A_223] : memref<6400x128x128xf32, #tpu.memory_space<hbm>> -> memref<1x128x128xf32, #tpu.memory_space<hbm>>
    %dma_wait3A_225 = tpu.memref_squeeze %dma_wait3A_224 : memref<1x128x128xf32, #tpu.memory_space<hbm>> -> memref<128x128xf32, #tpu.memory_space<hbm>>
    tpu.wait_dma2 semaphore(%arg20 : memref<!tpu.dma_semaphore, #tpu.memory_space<semaphore_mem>>) src(%arg10 : memref<128x128xf32, #tpu.memory_space<vmem>>) dst(%dma_wait3A_225 : memref<128x128xf32, #tpu.memory_space<hbm>>)
    %dma_start3A_226 = arith.constant 198 : i32
    %dma_start3A_227 = arith.constant 0 : i32
    %dma_start3A_228 = tpu.memref_slice %arg6[%dma_start3A_226, %dma_start3A_227] : memref<200x128xi32, #tpu.memory_space<vmem>> -> memref<1x128xi32, #tpu.memory_space<vmem>>
    %dma_start3A_229 = tpu.memref_squeeze %dma_start3A_228 : memref<1x128xi32, #tpu.memory_space<vmem>> -> memref<128xi32, #tpu.memory_space<vmem>>
    %dma_start3A_230 = arith.constant 0 : i32
    %dma_start3A_231 = arith.constant 0 : i32
    %dma_start3A_232 = tpu.memref_slice %arg5[%dma_start3A_230, %dma_start3A_231] : memref<1000x128xf32, #tpu.memory_space<vmem_shared>> -> memref<1000x128xf32, #tpu.memory_space<vmem_shared>>
    tpu.enqueue_indirect_dma source(%dma_start3A_232 : memref<1000x128xf32, #tpu.memory_space<vmem_shared>>) target(%arg10 : memref<128x128xf32, #tpu.memory_space<vmem>>) offsets(%dma_start3A_229 : memref<128xi32, #tpu.memory_space<vmem>>) semaphore(%arg15 : memref<!tpu.dma_semaphore, #tpu.memory_space<semaphore_mem>>)
    %dma_wait3A_233 = arith.constant 197 : i32
    %dma_wait3A_234 = arith.constant 0 : i32
    %dma_wait3A_235 = tpu.memref_slice %arg6[%dma_wait3A_233, %dma_wait3A_234] : memref<200x128xi32, #tpu.memory_space<vmem>> -> memref<1x128xi32, #tpu.memory_space<vmem>>
    %dma_wait3A_236 = tpu.memref_squeeze %dma_wait3A_235 : memref<1x128xi32, #tpu.memory_space<vmem>> -> memref<128xi32, #tpu.memory_space<vmem>>
    %dma_wait3A_237 = arith.constant 0 : i32
    %dma_wait3A_238 = arith.constant 0 : i32
    %dma_wait3A_239 = tpu.memref_slice %arg5[%dma_wait3A_237, %dma_wait3A_238] : memref<1000x128xf32, #tpu.memory_space<vmem_shared>> -> memref<1000x128xf32, #tpu.memory_space<vmem_shared>>
    tpu.wait_indirect_dma semaphore(%arg14 : memref<!tpu.dma_semaphore, #tpu.memory_space<semaphore_mem>>) src(%dma_wait3A_239 : memref<1000x128xf32, #tpu.memory_space<vmem_shared>>) dst(%arg9 : memref<128x128xf32, #tpu.memory_space<vmem>>)
    %add3A_240 = arith.constant 197 : i32
    %add3A_241 = arith.addi %mul3A_2, %add3A_240 : i32
    %dma_start3A_242 = arith.constant 0 : i32
    %dma_start3A_243 = arith.constant 0 : i32
    %dma_start3A_244 = tpu.memref_slice %arg4[%add3A_241, %dma_start3A_242, %dma_start3A_243] : memref<6400x128x128xf32, #tpu.memory_space<hbm>> -> memref<1x128x128xf32, #tpu.memory_space<hbm>>
    %dma_start3A_245 = tpu.memref_squeeze %dma_start3A_244 : memref<1x128x128xf32, #tpu.memory_space<hbm>> -> memref<128x128xf32, #tpu.memory_space<hbm>>
    %dma_start3A_246 = arith.constant 0 : i32
    %dma_start3A_247 = arith.constant 0 : i32
    %dma_start3A_248 = tpu.memref_slice %arg4[%add3A_241, %dma_start3A_246, %dma_start3A_247] : memref<6400x128x128xf32, #tpu.memory_space<hbm>> -> memref<1x128x128xf32, #tpu.memory_space<hbm>>
    %dma_start3A_249 = tpu.memref_squeeze %dma_start3A_248 : memref<1x128x128xf32, #tpu.memory_space<hbm>> -> memref<128x128xf32, #tpu.memory_space<hbm>>
    tpu.enqueue_dma source(%arg9 : memref<128x128xf32, #tpu.memory_space<vmem>>) target(%dma_start3A_249 : memref<128x128xf32, #tpu.memory_space<hbm>>) target_semaphore(%arg19 : memref<!tpu.dma_semaphore, #tpu.memory_space<semaphore_mem>>)
    %add3A_250 = arith.constant 194 : i32
    %add3A_251 = arith.addi %mul3A_2, %add3A_250 : i32
    %dma_wait3A_252 = arith.constant 0 : i32
    %dma_wait3A_253 = arith.constant 0 : i32
    %dma_wait3A_254 = tpu.memref_slice %arg4[%add3A_251, %dma_wait3A_252, %dma_wait3A_253] : memref<6400x128x128xf32, #tpu.memory_space<hbm>> -> memref<1x128x128xf32, #tpu.memory_space<hbm>>
    %dma_wait3A_255 = tpu.memref_squeeze %dma_wait3A_254 : memref<1x128x128xf32, #tpu.memory_space<hbm>> -> memref<128x128xf32, #tpu.memory_space<hbm>>
    %dma_wait3A_256 = arith.constant 0 : i32
    %dma_wait3A_257 = arith.constant 0 : i32
    %dma_wait3A_258 = tpu.memref_slice %arg4[%add3A_251, %dma_wait3A_256, %dma_wait3A_257] : memref<6400x128x128xf32, #tpu.memory_space<hbm>> -> memref<1x128x128xf32, #tpu.memory_space<hbm>>
    %dma_wait3A_259 = tpu.memref_squeeze %dma_wait3A_258 : memref<1x128x128xf32, #tpu.memory_space<hbm>> -> memref<128x128xf32, #tpu.memory_space<hbm>>
    tpu.wait_dma2 semaphore(%arg21 : memref<!tpu.dma_semaphore, #tpu.memory_space<semaphore_mem>>) src(%arg11 : memref<128x128xf32, #tpu.memory_space<vmem>>) dst(%dma_wait3A_259 : memref<128x128xf32, #tpu.memory_space<hbm>>)
    %dma_start3A_260 = arith.constant 199 : i32
    %dma_start3A_261 = arith.constant 0 : i32
    %dma_start3A_262 = tpu.memref_slice %arg6[%dma_start3A_260, %dma_start3A_261] : memref<200x128xi32, #tpu.memory_space<vmem>> -> memref<1x128xi32, #tpu.memory_space<vmem>>
    %dma_start3A_263 = tpu.memref_squeeze %dma_start3A_262 : memref<1x128xi32, #tpu.memory_space<vmem>> -> memref<128xi32, #tpu.memory_space<vmem>>
    %dma_start3A_264 = arith.constant 0 : i32
    %dma_start3A_265 = arith.constant 0 : i32
    %dma_start3A_266 = tpu.memref_slice %arg5[%dma_start3A_264, %dma_start3A_265] : memref<1000x128xf32, #tpu.memory_space<vmem_shared>> -> memref<1000x128xf32, #tpu.memory_space<vmem_shared>>
    tpu.enqueue_indirect_dma source(%dma_start3A_266 : memref<1000x128xf32, #tpu.memory_space<vmem_shared>>) target(%arg11 : memref<128x128xf32, #tpu.memory_space<vmem>>) offsets(%dma_start3A_263 : memref<128xi32, #tpu.memory_space<vmem>>) semaphore(%arg16 : memref<!tpu.dma_semaphore, #tpu.memory_space<semaphore_mem>>)
    %dma_wait3A_267 = arith.constant 198 : i32
    %dma_wait3A_268 = arith.constant 0 : i32
    %dma_wait3A_269 = tpu.memref_slice %arg6[%dma_wait3A_267, %dma_wait3A_268] : memref<200x128xi32, #tpu.memory_space<vmem>> -> memref<1x128xi32, #tpu.memory_space<vmem>>
    %dma_wait3A_270 = tpu.memref_squeeze %dma_wait3A_269 : memref<1x128xi32, #tpu.memory_space<vmem>> -> memref<128xi32, #tpu.memory_space<vmem>>
    %dma_wait3A_271 = arith.constant 0 : i32
    %dma_wait3A_272 = arith.constant 0 : i32
    %dma_wait3A_273 = tpu.memref_slice %arg5[%dma_wait3A_271, %dma_wait3A_272] : memref<1000x128xf32, #tpu.memory_space<vmem_shared>> -> memref<1000x128xf32, #tpu.memory_space<vmem_shared>>
    tpu.wait_indirect_dma semaphore(%arg15 : memref<!tpu.dma_semaphore, #tpu.memory_space<semaphore_mem>>) src(%dma_wait3A_273 : memref<1000x128xf32, #tpu.memory_space<vmem_shared>>) dst(%arg10 : memref<128x128xf32, #tpu.memory_space<vmem>>)
    %add3A_274 = arith.constant 198 : i32
    %add3A_275 = arith.addi %mul3A_2, %add3A_274 : i32
    %dma_start3A_276 = arith.constant 0 : i32
    %dma_start3A_277 = arith.constant 0 : i32
    %dma_start3A_278 = tpu.memref_slice %arg4[%add3A_275, %dma_start3A_276, %dma_start3A_277] : memref<6400x128x128xf32, #tpu.memory_space<hbm>> -> memref<1x128x128xf32, #tpu.memory_space<hbm>>
    %dma_start3A_279 = tpu.memref_squeeze %dma_start3A_278 : memref<1x128x128xf32, #tpu.memory_space<hbm>> -> memref<128x128xf32, #tpu.memory_space<hbm>>
    %dma_start3A_280 = arith.constant 0 : i32
    %dma_start3A_281 = arith.constant 0 : i32
    %dma_start3A_282 = tpu.memref_slice %arg4[%add3A_275, %dma_start3A_280, %dma_start3A_281] : memref<6400x128x128xf32, #tpu.memory_space<hbm>> -> memref<1x128x128xf32, #tpu.memory_space<hbm>>
    %dma_start3A_283 = tpu.memref_squeeze %dma_start3A_282 : memref<1x128x128xf32, #tpu.memory_space<hbm>> -> memref<128x128xf32, #tpu.memory_space<hbm>>
    tpu.enqueue_dma source(%arg10 : memref<128x128xf32, #tpu.memory_space<vmem>>) target(%dma_start3A_283 : memref<128x128xf32, #tpu.memory_space<hbm>>) target_semaphore(%arg20 : memref<!tpu.dma_semaphore, #tpu.memory_space<semaphore_mem>>)
    %dma_wait3A_284 = arith.constant 199 : i32
    %dma_wait3A_285 = arith.constant 0 : i32
    %dma_wait3A_286 = tpu.memref_slice %arg6[%dma_wait3A_284, %dma_wait3A_285] : memref<200x128xi32, #tpu.memory_space<vmem>> -> memref<1x128xi32, #tpu.memory_space<vmem>>
    %dma_wait3A_287 = tpu.memref_squeeze %dma_wait3A_286 : memref<1x128xi32, #tpu.memory_space<vmem>> -> memref<128xi32, #tpu.memory_space<vmem>>
    %dma_wait3A_288 = arith.constant 0 : i32
    %dma_wait3A_289 = arith.constant 0 : i32
    %dma_wait3A_290 = tpu.memref_slice %arg5[%dma_wait3A_288, %dma_wait3A_289] : memref<1000x128xf32, #tpu.memory_space<vmem_shared>> -> memref<1000x128xf32, #tpu.memory_space<vmem_shared>>
    tpu.wait_indirect_dma semaphore(%arg16 : memref<!tpu.dma_semaphore, #tpu.memory_space<semaphore_mem>>) src(%dma_wait3A_290 : memref<1000x128xf32, #tpu.memory_space<vmem_shared>>) dst(%arg11 : memref<128x128xf32, #tpu.memory_space<vmem>>)
    %add3A_291 = arith.constant 199 : i32
    %add3A_292 = arith.addi %mul3A_2, %add3A_291 : i32
    %dma_start3A_293 = arith.constant 0 : i32
    %dma_start3A_294 = arith.constant 0 : i32
    %dma_start3A_295 = tpu.memref_slice %arg4[%add3A_292, %dma_start3A_293, %dma_start3A_294] : memref<6400x128x128xf32, #tpu.memory_space<hbm>> -> memref<1x128x128xf32, #tpu.memory_space<hbm>>
    %dma_start3A_296 = tpu.memref_squeeze %dma_start3A_295 : memref<1x128x128xf32, #tpu.memory_space<hbm>> -> memref<128x128xf32, #tpu.memory_space<hbm>>
    %dma_start3A_297 = arith.constant 0 : i32
    %dma_start3A_298 = arith.constant 0 : i32
    %dma_start3A_299 = tpu.memref_slice %arg4[%add3A_292, %dma_start3A_297, %dma_start3A_298] : memref<6400x128x128xf32, #tpu.memory_space<hbm>> -> memref<1x128x128xf32, #tpu.memory_space<hbm>>
    %dma_start3A_300 = tpu.memref_squeeze %dma_start3A_299 : memref<1x128x128xf32, #tpu.memory_space<hbm>> -> memref<128x128xf32, #tpu.memory_space<hbm>>
    tpu.enqueue_dma source(%arg11 : memref<128x128xf32, #tpu.memory_space<vmem>>) target(%dma_start3A_300 : memref<128x128xf32, #tpu.memory_space<hbm>>) target_semaphore(%arg21 : memref<!tpu.dma_semaphore, #tpu.memory_space<semaphore_mem>>)
    %add3A_301 = arith.constant 195 : i32
    %add3A_302 = arith.addi %mul3A_2, %add3A_301 : i32
    %dma_wait3A_303 = arith.constant 0 : i32
    %dma_wait3A_304 = arith.constant 0 : i32
    %dma_wait3A_305 = tpu.memref_slice %arg4[%add3A_302, %dma_wait3A_303, %dma_wait3A_304] : memref<6400x128x128xf32, #tpu.memory_space<hbm>> -> memref<1x128x128xf32, #tpu.memory_space<hbm>>
    %dma_wait3A_306 = tpu.memref_squeeze %dma_wait3A_305 : memref<1x128x128xf32, #tpu.memory_space<hbm>> -> memref<128x128xf32, #tpu.memory_space<hbm>>
    %dma_wait3A_307 = arith.constant 0 : i32
    %dma_wait3A_308 = arith.constant 0 : i32
    %dma_wait3A_309 = tpu.memref_slice %arg4[%add3A_302, %dma_wait3A_307, %dma_wait3A_308] : memref<6400x128x128xf32, #tpu.memory_space<hbm>> -> memref<1x128x128xf32, #tpu.memory_space<hbm>>
    %dma_wait3A_310 = tpu.memref_squeeze %dma_wait3A_309 : memref<1x128x128xf32, #tpu.memory_space<hbm>> -> memref<128x128xf32, #tpu.memory_space<hbm>>
    tpu.wait_dma2 semaphore(%arg17 : memref<!tpu.dma_semaphore, #tpu.memory_space<semaphore_mem>>) src(%arg7 : memref<128x128xf32, #tpu.memory_space<vmem>>) dst(%dma_wait3A_310 : memref<128x128xf32, #tpu.memory_space<hbm>>)
    %add3A_311 = arith.constant 196 : i32
    %add3A_312 = arith.addi %mul3A_2, %add3A_311 : i32
    %dma_wait3A_313 = arith.constant 0 : i32
    %dma_wait3A_314 = arith.constant 0 : i32
    %dma_wait3A_315 = tpu.memref_slice %arg4[%add3A_312, %dma_wait3A_313, %dma_wait3A_314] : memref<6400x128x128xf32, #tpu.memory_space<hbm>> -> memref<1x128x128xf32, #tpu.memory_space<hbm>>
    %dma_wait3A_316 = tpu.memref_squeeze %dma_wait3A_315 : memref<1x128x128xf32, #tpu.memory_space<hbm>> -> memref<128x128xf32, #tpu.memory_space<hbm>>
    %dma_wait3A_317 = arith.constant 0 : i32
    %dma_wait3A_318 = arith.constant 0 : i32
    %dma_wait3A_319 = tpu.memref_slice %arg4[%add3A_312, %dma_wait3A_317, %dma_wait3A_318] : memref<6400x128x128xf32, #tpu.memory_space<hbm>> -> memref<1x128x128xf32, #tpu.memory_space<hbm>>
    %dma_wait3A_320 = tpu.memref_squeeze %dma_wait3A_319 : memref<1x128x128xf32, #tpu.memory_space<hbm>> -> memref<128x128xf32, #tpu.memory_space<hbm>>
    tpu.wait_dma2 semaphore(%arg18 : memref<!tpu.dma_semaphore, #tpu.memory_space<semaphore_mem>>) src(%arg8 : memref<128x128xf32, #tpu.memory_space<vmem>>) dst(%dma_wait3A_320 : memref<128x128xf32, #tpu.memory_space<hbm>>)
    %add3A_321 = arith.constant 197 : i32
    %add3A_322 = arith.addi %mul3A_2, %add3A_321 : i32
    %dma_wait3A_323 = arith.constant 0 : i32
    %dma_wait3A_324 = arith.constant 0 : i32
    %dma_wait3A_325 = tpu.memref_slice %arg4[%add3A_322, %dma_wait3A_323, %dma_wait3A_324] : memref<6400x128x128xf32, #tpu.memory_space<hbm>> -> memref<1x128x128xf32, #tpu.memory_space<hbm>>
    %dma_wait3A_326 = tpu.memref_squeeze %dma_wait3A_325 : memref<1x128x128xf32, #tpu.memory_space<hbm>> -> memref<128x128xf32, #tpu.memory_space<hbm>>
    %dma_wait3A_327 = arith.constant 0 : i32
    %dma_wait3A_328 = arith.constant 0 : i32
    %dma_wait3A_329 = tpu.memref_slice %arg4[%add3A_322, %dma_wait3A_327, %dma_wait3A_328] : memref<6400x128x128xf32, #tpu.memory_space<hbm>> -> memref<1x128x128xf32, #tpu.memory_space<hbm>>
    %dma_wait3A_330 = tpu.memref_squeeze %dma_wait3A_329 : memref<1x128x128xf32, #tpu.memory_space<hbm>> -> memref<128x128xf32, #tpu.memory_space<hbm>>
    tpu.wait_dma2 semaphore(%arg19 : memref<!tpu.dma_semaphore, #tpu.memory_space<semaphore_mem>>) src(%arg9 : memref<128x128xf32, #tpu.memory_space<vmem>>) dst(%dma_wait3A_330 : memref<128x128xf32, #tpu.memory_space<hbm>>)
    %add3A_331 = arith.constant 198 : i32
    %add3A_332 = arith.addi %mul3A_2, %add3A_331 : i32
    %dma_wait3A_333 = arith.constant 0 : i32
    %dma_wait3A_334 = arith.constant 0 : i32
    %dma_wait3A_335 = tpu.memref_slice %arg4[%add3A_332, %dma_wait3A_333, %dma_wait3A_334] : memref<6400x128x128xf32, #tpu.memory_space<hbm>> -> memref<1x128x128xf32, #tpu.memory_space<hbm>>
    %dma_wait3A_336 = tpu.memref_squeeze %dma_wait3A_335 : memref<1x128x128xf32, #tpu.memory_space<hbm>> -> memref<128x128xf32, #tpu.memory_space<hbm>>
    %dma_wait3A_337 = arith.constant 0 : i32
    %dma_wait3A_338 = arith.constant 0 : i32
    %dma_wait3A_339 = tpu.memref_slice %arg4[%add3A_332, %dma_wait3A_337, %dma_wait3A_338] : memref<6400x128x128xf32, #tpu.memory_space<hbm>> -> memref<1x128x128xf32, #tpu.memory_space<hbm>>
    %dma_wait3A_340 = tpu.memref_squeeze %dma_wait3A_339 : memref<1x128x128xf32, #tpu.memory_space<hbm>> -> memref<128x128xf32, #tpu.memory_space<hbm>>
    tpu.wait_dma2 semaphore(%arg20 : memref<!tpu.dma_semaphore, #tpu.memory_space<semaphore_mem>>) src(%arg10 : memref<128x128xf32, #tpu.memory_space<vmem>>) dst(%dma_wait3A_340 : memref<128x128xf32, #tpu.memory_space<hbm>>)
    %add3A_341 = arith.constant 199 : i32
    %add3A_342 = arith.addi %mul3A_2, %add3A_341 : i32
    %dma_wait3A_343 = arith.constant 0 : i32
    %dma_wait3A_344 = arith.constant 0 : i32
    %dma_wait3A_345 = tpu.memref_slice %arg4[%add3A_342, %dma_wait3A_343, %dma_wait3A_344] : memref<6400x128x128xf32, #tpu.memory_space<hbm>> -> memref<1x128x128xf32, #tpu.memory_space<hbm>>
    %dma_wait3A_346 = tpu.memref_squeeze %dma_wait3A_345 : memref<1x128x128xf32, #tpu.memory_space<hbm>> -> memref<128x128xf32, #tpu.memory_space<hbm>>
    %dma_wait3A_347 = arith.constant 0 : i32
    %dma_wait3A_348 = arith.constant 0 : i32
    %dma_wait3A_349 = tpu.memref_slice %arg4[%add3A_342, %dma_wait3A_347, %dma_wait3A_348] : memref<6400x128x128xf32, #tpu.memory_space<hbm>> -> memref<1x128x128xf32, #tpu.memory_space<hbm>>
    %dma_wait3A_350 = tpu.memref_squeeze %dma_wait3A_349 : memref<1x128x128xf32, #tpu.memory_space<hbm>> -> memref<128x128xf32, #tpu.memory_space<hbm>>
    tpu.wait_dma2 semaphore(%arg21 : memref<!tpu.dma_semaphore, #tpu.memory_space<semaphore_mem>>) src(%arg11 : memref<128x128xf32, #tpu.memory_space<vmem>>) dst(%dma_wait3A_350 : memref<128x128xf32, #tpu.memory_space<hbm>>)
    return
  }
}

</mosaic_0001>

<sc_bundles>
// kernel: kernel.3.cloned.1.call-start
scs
__scs_entry_jumppad:
0x0: {  	(pc) =	sbr.rel $0x88, $3  }
0x1: {  	(tag) =	ssettag $0x0;
	lr =	simm.s32 $0x1  }
0x2: {  	[smem:$0x3F9F] =	sst lr;
	_ =	strace $0xD0000000  }
0x3: {  	_ = 	snop  }
0x4: {  	_ = 	snop  }
0x5: {  	_ = 	snop  }
0x6: {  	_ = 	snop  }
0x7: {  	_ = 	snop  }
__scs_overlays_trampoline_lowered:
0x8: {  	[smem:$0x3FAE] =	sst s0  }
0x9: {  	[smem:$0x3FAF] =	sst s1  }
0xa: {  	[smem:$0x3FB0] =	sst s2  }
0xb: {  	[smem:$0x3FB1] =	sst s3  }
0xc: {  	[smem:$0x3FB2] =	sst s4  }
0xd: {  	[smem:$0x3FB3] =	sst s5  }
0xe: {  	[smem:$0x3FB4] =	sst s6  }
0xf: {  	[smem:$0x3FB5] =	sst s7  }
0x10: {  	[smem:$0x3FB6] =	sst s8  }
0x11: {  	[smem:$0x3FB7] =	sst s9;
	s0 =	simm.s32 @!p0 $0x0  }
0x12: {  	s1 =	sld [smem:$0x3F9D];
	s0 =	simm.s32 @p0 $0x1  }
0x13: {  	[smem:$0x3FB8] =	sst s0;
	s0 =	simm.s32 @!p1 $0x0  }
0x14: {  	s2 =	sld [smem:$0x3F9C];
	s0 =	simm.s32 @p1 $0x1  }
0x15: {  	[smem:$0x3FB9] =	sst s0;
	s0 =	simm.s32 @!p2 $0x0  }
0x16: {  	s3 =	sld [smem:$0x3FDB];
	s0 =	simm.s32 @p2 $0x1  }
0x17: {  	s4 =	simm.s32 $0x1BF5;
	[smem:$0x3FBB] =	sst s0  }
0x18: {  	s0 =	sld [smem:$0x3F9E];
	_ =	swait.ge [sflag:s4], $0x0  }
0x19: {  	s7 =	sld [smem:$0x3F9F]  }
0x1a: {  	s8 =	sadd.s32 $0xFFFFE003, lr  }
0x1b: {  	s9 =	sadd.s32 $0xFFFFFEF7, lr;
	s5 =	simm.s32 $0xFFFFFFFF;
	p2 =	slt.u32 s8, $0xFFFFF086  }
0x1c: {  	p1 =	slt.u32 s9, $0xF7A;
	s5 =	simm.s32 @!p2 $0x0  }
0x1d: {  	s5 =	simm.s32 @p1 $0x1;
	p0 =	seq.s32 s7, s2  }
0x1e: {  	s7 =	smul.u32 @!p0 $0xF7A, s2;
	p2 =	seq.s32 @!p0 s5, $0x0  }
0x1f: {  	s9 =	smul.u32 $0xF7A, s1;
	s8 =	simm.s32 @!p0 $0x1BF5;
	p2 =	por !p2, p0  }
0x20: {  	[sflag:s8] =	ssyncset.s32 @!p0 $0xFFFFF086;
	s6 =	sadd.s32 @!p0 s3, s7;
	s7 =	simm.s32 @!p0 $0x108  }
0x21: {  	s3 =	sadd.s32 s3, s9;
	s6 =	sadd.s32 @!p0 $0x88, s6;
	s7 =	simm.s32 @p2 $0x1082  }
0x22: {  	[simem:s7], [sflag:s8] =	dma.local @!p0 [hbm:s6], $0xF7A  }
0x23: {  	s9 =	sor.u32 $0xD0000000, s2;
	s6 =	simm.s32 $0x108;
	_ =	swait.ge @!p0 [sflag:s8], $0x0  }
0x24: {  	s3 =	sadd.s32 $0x88, s3;
	s6 =	simm.s32 @!p1 $0x1082;
	[sflag:s4] =	ssyncset.s32 $0xFFFFF086  }
0x25: {  	[simem:s6], [sflag:s4] =	dma.local [hbm:s3], $0xF7A  }
0x26: {  	[smem:$0x3F9F] =	sst s1;
	(tag) =	ssettag s2;
	_ =	strace s9  }
0x27: {  	s1 =	sld [smem:$0x3FAF]  }
0x28: {  	s2 =	sld [smem:$0x3FB0]  }
0x29: {  	s4 =	sld [smem:$0x3FB2]  }
0x2a: {  	p0 =	seq.s32 s5, $0x0;
	s5 =	sld [smem:$0x3FB3]  }
0x2b: {  	s6 =	sld [smem:$0x3FB4]  }
0x2c: {  	s7 =	sld [smem:$0x3FB5]  }
0x2d: {  	s3 =	simm.s32 $0x108;
	s8 =	sld [smem:$0x3FB6]  }
0x2e: {  	s3 =	simm.s32 @!p0 $0x1082;
	s9 =	sld [smem:$0x3FB7]  }
0x2f: {  	lr =	sadd.s32 s0, s3;
	s0 =	sld [smem:$0x3FAE]  }
0x30: {  	s3 =	sld [smem:$0x3FB1]  }
0x31: {  	[smem:$0x3FBA] =	sst s10  }
0x32: {  	s10 =	sld [smem:$0x3FB8];
	_ =	sdelay $0x3  }
0x33: {  	p0 =	seq.s32 s10, $0x1;
	s10 =	sld [smem:$0x3FBA];
	_ =	sdelay $0x3  }
0x34: {  	[smem:$0x3FBA] =	sst s10  }
0x35: {  	s10 =	sld [smem:$0x3FB9];
	_ =	sdelay $0x3  }
0x36: {  	p1 =	seq.s32 s10, $0x1;
	s10 =	sld [smem:$0x3FBA];
	_ =	sdelay $0x3  }
0x37: {  	[smem:$0x3FBA] =	sst s10  }
0x38: {  	s10 =	sld [smem:$0x3FBB]  }
0x39: {  	_ = 	snop;
	(pc) =	sbr.ind lr, $3  }
0x3a: {  	_ = 	snop  }
0x3b: {  	_ = 	snop  }
0x3c: {  	p2 =	seq.s32 s10, $0x1;
	s10 =	sld [smem:$0x3FBA]  }
0x3d: {  	_ =	shalt  }
0x3e: {  	_ =	shalt  }
0x3f: {  	_ =	shalt  }
0x40: {  	_ =	shalt  }
0x41: {  	_ =	shalt  }
0x42: {  	_ =	shalt  }
0x43: {  	_ =	shalt  }
0x44: {  	_ =	shalt  }
0x45: {  	_ =	shalt  }
0x46: {  	_ =	shalt  }
0x47: {  	_ =	shalt  }
0x48: {  	_ =	shalt  }
0x49: {  	_ =	shalt  }
0x4a: {  	_ =	shalt  }
0x4b: {  	_ =	shalt  }
0x4c: {  	_ =	shalt  }
0x4d: {  	_ =	shalt  }
0x4e: {  	_ =	shalt  }
0x4f: {  	_ =	shalt  }
0x50: {  	_ =	shalt  }
0x51: {  	_ =	shalt  }
0x52: {  	_ =	shalt  }
0x53: {  	_ =	shalt  }
0x54: {  	_ =	shalt  }
0x55: {  	_ =	shalt  }
0x56: {  	_ =	shalt  }
0x57: {  	_ =	shalt  }
0x58: {  	_ =	shalt  }
0x59: {  	_ =	shalt  }
0x5a: {  	_ =	shalt  }
0x5b: {  	_ =	shalt  }
0x5c: {  	_ =	shalt  }
0x5d: {  	_ =	shalt  }
0x5e: {  	_ =	shalt  }
0x5f: {  	_ =	shalt  }
0x60: {  	_ =	shalt  }
0x61: {  	_ =	shalt  }
0x62: {  	_ =	shalt  }
0x63: {  	_ =	shalt  }
0x64: {  	_ =	shalt  }
0x65: {  	_ =	shalt  }
0x66: {  	_ =	shalt  }
0x67: {  	_ =	shalt  }
0x68: {  	_ =	shalt  }
0x69: {  	_ =	shalt  }
0x6a: {  	_ =	shalt  }
0x6b: {  	_ =	shalt  }
0x6c: {  	_ =	shalt  }
0x6d: {  	_ =	shalt  }
0x6e: {  	_ =	shalt  }
0x6f: {  	_ =	shalt  }
0x70: {  	_ =	shalt  }
0x71: {  	_ =	shalt  }
0x72: {  	_ =	shalt  }
0x73: {  	_ =	shalt  }
0x74: {  	_ =	shalt  }
0x75: {  	_ =	shalt  }
0x76: {  	_ =	shalt  }
0x77: {  	_ =	shalt  }
0x78: {  	_ =	shalt  }
0x79: {  	_ =	shalt  }
0x7a: {  	_ =	shalt  }
0x7b: {  	_ =	shalt  }
0x7c: {  	_ =	shalt  }
0x7d: {  	_ =	shalt  }
0x7e: {  	_ =	shalt  }
0x7f: {  	_ =	shalt  }
0x80: {  	_ =	shalt  }
0x81: {  	_ =	shalt  }
0x82: {  	_ =	shalt  }
0x83: {  	_ =	shalt  }
0x84: {  	_ =	shalt  }
0x85: {  	_ =	shalt  }
0x86: {  	_ =	shalt  }
0x87: {  	_ =	shalt  }
.Lfunc_end0:
.L_simem_size_0:
called_computation_lowered:
.L_overlay_start_0:
0x88: {  	s2 =	sld [smem:$0x3FD9]  }
0x89: {  	s3 =	sld [smem:$0x3FFE];
	_ =	sdelay $0x1  }
0x8a: {  	s1 =	srdreg.scid  }
0x8b: {  	s0 =	sand.u32 $0x1, s1  }
0x8c: {  	s17 =	sshll.u32 s0, $0xA;
	s2 =	sadd.s32 s3, s2  }
0x8d: {  	s2 =	sadd.s32 s2, s17  }
0x8e: {  	[smem:$0x3FC6] =	sst s2  }
0x8f: {  	_ = 	snop  }
0x90: {  	s2 =	sld [smem:$0x3FC8]  }
0x91: {  	s18 =	sld [smem:$0x3FD0];
	(tm) =	ssettm $0x1  }
0x92: {  	s4 =	sld [smem:$0x3FFB];
	_ =	sdelay $0x3  }
0x93: {  	_ =	strace s4  }
0x94: {  	s4 =	sld [smem:$0x3FFC];
	_ =	sdelay $0x3  }
0x95: {  	_ =	strace s4  }
0x96: {  	s4 =	sld [smem:$0x3FFD];
	_ =	sdelay $0x3  }
0x97: {  	_ =	strace s4  }
0x98: {  	_ =	strace $0x8FFFFFFF  }
0x99: {  	s19 =	sld [smem:$0x3FDB];
	_ =	sdelay $0x1  }
0x9a: {  	s5 =	simm.s32 $_scs_section_size  }
0x9b: {  	s6 =	simm.s32 $_size__tile_overlayer_lowered;
	s7 =	simm.s32 $_tile_overlayer_lowered  }
0x9c: {  	s22 =	simm.s32 $0x1BFF;
	s21 =	sshll.u32 s7, $0x1;
	s4 =	sadd.s32 s5, s19  }
0x9d: {  	s8 =	simm.s32 $0x0;
	s20 =	sshll.u32 s6, $0x1;
	s6 =	sadd.s32 s21, s4  }
0x9e: {  	[timem:s8], [sflag:s22] =	dma.local [hbm:s6], s20  }
0x9f: {  	_ =	swait.ge [sflag:s22], s20  }
0xa0: {  	s5 =	ssub.s32 $0x0, s20;
	[sflag:s22] =	ssyncset.done $0x0  }
0xa1: {  	[sflag:s22] =	ssyncadd.s32 s5;
	_ =	sdelay $0x1  }
0xa2: {  	s23 =	simm.s32 $0x1B8B  }
0xa3: {  	_ =	swait.ge [sflag:s23], $0x1  }
0xa4: {  	[sflag:s23] =	ssyncset.done $0x0  }
0xa5: {  	s25 =	simm.s32 $0x1B8E;
	s24 =	sld [smem:$0x3FFE];
	[sflag:s23] =	ssyncadd.s32 $0xFFFFFFFF  }
0xa6: {  	s26 =	simm.s32 $execute0_lowered;
	[smem:$0x3FD2] =	sst s25  }
0xa7: {  	s6 =	sshll.u32 s26, $0x1;
	_ =	strace $0x80000046;
	[dreg:$0x1] =	wrdreg $0xFFFFFFFF  }
0xa8: {  	s28 =	simm.s32 $_size_execute0_lowered;
	s4 =	sadd.s32 s4, s6;
	[dreg:$0x0] =	wrdreg $0x0  }
0xa9: {  	s6 =	sshll.u32 s28, $0x1;
	[dreg:$0x2] =	wrdreg s4  }
0xaa: {  	[dreg:$0x3] =	wrdreg s6  }
0xab: {  	[dreg:$0x4] =	wrdreg $0xC0  }
0xac: {  	_ =	task [dreg:s8], $0x5FFFF  }
0xad: {  	[dreg:$0x1] =	wrdreg $0xFFFFFFFF  }
0xae: {  	[dreg:$0x0] =	wrdreg $0x60  }
0xaf: {  	[dreg:$0x2] =	wrdreg s2  }
0xb0: {  	[dreg:$0x3] =	wrdreg s24  }
0xb1: {  	[dreg:$0x4] =	wrdreg s18  }
0xb2: {  	[dreg:$0x5] =	wrdreg $0x0  }
0xb3: {  	[dreg:$0x6] =	wrdreg $0x9  }
0xb4: {  	_ =	task.clear_ibuf [dreg:s8], $0x7FFFF;
	_ =	strace $0x90000046  }
0xb5: {  	s29 =	simm.s32 $0x9;
	_ =	strace $0x80000048  }
0xb6: {  	_ =	swait.ge [sflag:s29], $0x1  }
0xb7: {  	[sflag:s29] =	ssyncadd.s32 $0xFFFFFFFF  }
0xb8: {  	_ =	strace $0x90000048  }
0xb9: {  	_ =	sfence  }
0xba: {  	s30 =	sld [smem:$0x0];
	_ =	sdelay $0x2  }
0xbb: {  	s31 =	sshll.u32 s1, $0xD;
	s1 =	sshrl.u32 s1, $0x2  }
0xbc: {  	s3 =	sand.u32 $0x4000, s31;
	s1 =	sadd.s32 s1, s30  }
0xbd: {  	s0 =	sor.u32 s3, s0;
	s1 =	sshll.u32 s1, $0x11  }
0xbe: {  	s0 =	sor.u32 s1, s0  }
0xbf: {  	s0 =	sadd.s32 $0x8F2B, s0  }
0xc0: {  	[sflag:s0] =	ssyncadd.remote.s32 $0x1  }
0xc1: {  	_ =	sfence.sel $0xFFFF  }
0xc2: {  	[dreg:$0x0] =	wrdreg $0xFFFFFFFF;
	(pc) =	sbr.abs _section_cstart, $3  }
0xc3: {  	[dreg:$0x1] =	wrdreg $0xFFFFFFFF  }
0xc4: {  	_ =	task.clear_ibuf [dreg:s8], $0x2FFFF;
	_ =	strace $0x9FFFFFFF  }
0xc5: {  	(tm) =	ssettm $0x7FFFFFFF  }
tec
execute0_lowered:
.L_overlay_start_1:
0x0: {  	(tag) =	ssettag $0x1  }
0x1: {  	s0 =	rddreg [dreg:$0x0]  }
0x2: {  	s1 =	rddreg [dreg:$0x1]  }
0x3: {  	s2 =	rddreg [dreg:$0x2];
	s4 =	srdreg.scid  }
0x4: {  	s13 =	stileid.u32;
	s3 =	rddreg [dreg:$0x3]  }
0x5: {  	s29 =	simm.s32 $0xC340;
	s30 =	simm.s32 $0x1;
	s31 =	simm.s32 $0x14340  }
0x6: {  	s28 =	simm.s32 $0x3;
	s5 =	sand.u32 $0x1, s4;
	s9 =	smul.u32 $0xC000, s13  }
0x7: {  	s6 =	sshll.u32 s13, $0x1;
	s4 =	simm.s32 $0x0;
	s10 =	smul.u32 $0x600, s13  }
0x8: {  	s11 =	sadd.s32 $0x1E000, s3;
	s12 =	sadd.s32 $0x3C00, s0;
	s19 =	smul.u32 $0x190, s13  }
0x9: {  	p0 =	sgt.u32 s13, $0x9;
	s6 =	sor.u32 s5, s6;
	[smem:$0x7FF] =	sst s4  }
0xa: {  	s8 =	ssub.s32 $0x2, s5;
	s5 =	smul.u32 $0xC8, s5;
	p1 =	sne.s32 @p0 s13, $0xA  }
0xb: {  	s7 =	smul.u32 $0xC80, s6;
	_ =	strace $0x80000047;
	s26 =	sshrl.u32 s8, $0x1  }
0xc: {  	s9 =	sshrl.u32 s9, $0x2;
	s14 =	smul.u32 $0x64000, s6;
	[dreg:$0x6] =	wrdreg s12  }
0xd: {  	s0 =	sadd.s32 s0, s10;
	s15 =	smul.u32 $0x320000, s6;
	p1 =	por p1, !p0  }
0xe: {  	s6 =	simm.s32 $0x4;
	s10 =	simm.s32 $0x7;
	s8 =	ssub.s32 s8, s26  }
0xf: {  	[dreg:$0x7] =	wrdreg s0;
	s1 =	sadd.s32 s7, s1;
	s25 =	smax.u32 s8, $0x1  }
0x10: {  	s7 =	sadd.s32 s2, s14;
	s1 =	sadd.s32 $0x400, s1;
	[dreg:$0x12] =	wrdreg s25  }
0x11: {  	s12 =	sadd.s32 s9, s3;
	s16 =	sadd.s32 $0x800, s7;
	[dreg:$0x8] =	wrdreg s1  }
0x12: {  	s9 =	simm.s32 $0x5;
	s17 =	sadd.s32 $0x1000, s7;
	[dreg:$0x9] =	wrdreg s16  }
0x13: {  	s0 =	sshrl.u32 s15, $0x3;
	s18 =	sadd.s32 $0x1800, s7;
	[dreg:$0xa] =	wrdreg s17  }
0x14: {  	s20 =	sadd.s32 $0x2000, s7;
	s0 =	sadd.s32 s2, s0;
	[dreg:$0xb] =	wrdreg s18  }
0x15: {  	s8 =	simm.s32 $0x6;
	[dreg:$0xc] =	wrdreg s20;
	s21 =	sadd.s32 $0x61800, s0  }
0x16: {  	s14 =	simm.s32 $0x0;
	s22 =	sadd.s32 $0x62000, s0;
	[dreg:$0xd] =	wrdreg s21  }
0x17: {  	s25 =	simm.s32 $0x80;
	s23 =	sadd.s32 $0x62800, s0;
	[dreg:$0xe] =	wrdreg s22  }
0x18: {  	s24 =	sadd.s32 $0x63000, s0;
	s1 =	sadd.s32 s5, s19;
	[dreg:$0xf] =	wrdreg s23  }
0x19: {  	s0 =	sadd.s32 $0x63800, s0;
	s20 =	sshrl.u32 @!p1 s11, $0x3;
	[dreg:$0x10] =	wrdreg s24  }
0x1a: {  	s5 =	simm.s32 $0x18340;
	s11 =	simm.s32 $0x8;
	[dreg:$0x11] =	wrdreg s0  }
0x1b: {  	s18 =	sshll.u32 s1, $0xB;
	s0 =	sshll.u32 @!p0 s13, $0x6;
	s22 =	sshrl.u32 @!p0 s12, $0x3  }
0x1c: {  	s24 =	simm.s32 $0xB;
	s1 =	simm.s32 $0x10340;
	s12 =	simm.s32 $0x9  }
0x1d: {  	s13 =	simm.s32 $0xA;
	s26 =	sadd.s32 $0x4000, s18;
	s21 =	sor.u32 @!p0 $0x1C0B, s0  }
0x1e: {  	s0 =	simm.s32 $0x2;
	[dreg:$0x5] =	wrdreg s26;
	s26 =	simm.s32 $0x8340  }
.LBB2_1:
0x1f: {  	s15 =	simm.s32 @!p1 $0x1E8B;
	s16 =	rddreg [dreg:$0x6]  }
0x20: {  	[spmem:s20], [sflag:s15] =	dma.local @!p1 [hbm:s16], $0x280  }
0x21: {  	s15 =	simm.s32 @!p1 $0xB  }
0x22: {  	_ =	swait.ge @!p1 [sflag:s15], $0x280  }
0x23: {  	[sflag:s15] =	ssyncset.done @!p1 $0x0  }
0x24: {  	[sflag:s15] =	ssyncadd.s32 @!p1 $0xFFFFFD80;
	s15 =	rddreg [dreg:$0x7]  }
0x25: {  	[spmem:s22], [sflag:s21] =	dma.local @!p0 [hbm:s15], $0x600  }
0x26: {  	s15 =	simm.s32 @!p0 $0xB  }
0x27: {  	_ =	swait.ge @!p0 [sflag:s15], $0x600  }
0x28: {  	[sflag:s15] =	ssyncset.done @!p0 $0x0  }
0x29: {  	s23 =	simm.s32 $0x1F40;
	s19 =	rddreg [dreg:$0x8];
	[sflag:s15] =	ssyncadd.s32 @!p0 $0xFFFFFA00  }
0x2a: {  	[tilespmem:s23], [sflag:$0xB] =	stream.linear.gather [hbm4b:s19+s4], $0x6400, $0x38;
	[tilespmem:$0x1C340] =	vst v63  }
0x2b: {  	_ =	swait.ge [sflag:s24], $0x6400  }
0x2c: {  	[sflag:s24] =	ssyncset.done $0x0  }
0x2d: {  	[sflag:s24] =	ssyncadd.s32 $0xFFFF9C00  }
0x2e: {  	[bflag:$0x0] =	sbarrier.arrive $0xFFFF  }
0x2f: {  	[tilespmem:s26], [sflag:$0x1] =	stream.indirect.gather [spmem:s3], $0x80, s23, s25, $0xb8;
	[tilespmem:$0x1C340] =	vst v63  }
0x30: {  	s17 =	simm.s32 $0x1FC0  }
0x31: {  	[tilespmem:s29], [sflag:$0x2] =	stream.indirect.gather [spmem:s3], $0x80, s17, s25, $0xb8;
	[tilespmem:$0x1C340] =	vst v63  }
0x32: {  	_ =	swait.ge [sflag:s30], $0x4000  }
0x33: {  	[sflag:s30] =	ssyncset.done $0x0  }
0x34: {  	[sflag:s30] =	ssyncadd.s32 $0xFFFFC000  }
0x35: {  	[hbm4b:s7+s4] =	stream.linear.scatter [tilespmem:s26], [sflag:$0x6], $0x4000, $0x38;
	[tilespmem:$0x1C340] =	vst v63  }
0x36: {  	s19 =	simm.s32 $0x2040  }
0x37: {  	[tilespmem:s1], [sflag:$0x3] =	stream.indirect.gather [spmem:s3], $0x80, s19, s25, $0xb8;
	[tilespmem:$0x1C340] =	vst v63  }
0x38: {  	_ =	swait.ge [sflag:s0], $0x4000  }
0x39: {  	[sflag:s0] =	ssyncset.done $0x0  }
0x3a: {  	s23 =	rddreg [dreg:$0x9];
	[sflag:s0] =	ssyncadd.s32 $0xFFFFC000  }
0x3b: {  	[hbm4b:s23+s4] =	stream.linear.scatter [tilespmem:s29], [sflag:$0x7], $0x4000, $0x38;
	[tilespmem:$0x1C340] =	vst v63  }
0x3c: {  	s16 =	simm.s32 $0x20C0  }
0x3d: {  	[tilespmem:s31], [sflag:$0x4] =	stream.indirect.gather [spmem:s3], $0x80, s16, s25, $0xb8;
	[tilespmem:$0x1C340] =	vst v63  }
0x3e: {  	_ =	swait.ge [sflag:s28], $0x4000  }
0x3f: {  	[sflag:s28] =	ssyncset.done $0x0  }
0x40: {  	s17 =	rddreg [dreg:$0xa];
	[sflag:s28] =	ssyncadd.s32 $0xFFFFC000  }
0x41: {  	[hbm4b:s17+s4] =	stream.linear.scatter [tilespmem:s1], [sflag:$0x8], $0x4000, $0x38;
	[tilespmem:$0x1C340] =	vst v63  }
0x42: {  	s19 =	simm.s32 $0x2140  }
0x43: {  	[tilespmem:s5], [sflag:$0x5] =	stream.indirect.gather [spmem:s3], $0x80, s19, s25, $0xb8;
	[tilespmem:$0x1C340] =	vst v63  }
0x44: {  	_ =	swait.ge [sflag:s6], $0x4000  }
0x45: {  	[sflag:s6] =	ssyncset.done $0x0  }
0x46: {  	s23 =	rddreg [dreg:$0xb];
	[sflag:s6] =	ssyncadd.s32 $0xFFFFC000  }
0x47: {  	[hbm4b:s23+s4] =	stream.linear.scatter [tilespmem:s31], [sflag:$0x9], $0x4000, $0x38;
	[tilespmem:$0x1C340] =	vst v63  }
0x48: {  	_ =	swait.ge [sflag:s8], $0x4000  }
0x49: {  	[sflag:s8] =	ssyncset.done $0x0  }
0x4a: {  	s16 =	simm.s32 $0x21C0;
	[sflag:s8] =	ssyncadd.s32 $0xFFFFC000  }
0x4b: {  	[tilespmem:s26], [sflag:$0x1] =	stream.indirect.gather [spmem:s3], $0x80, s16, s25, $0xb8;
	[tilespmem:$0x1C340] =	vst v63  }
0x4c: {  	_ =	swait.ge [sflag:s9], $0x4000  }
0x4d: {  	[sflag:s9] =	ssyncset.done $0x0  }
0x4e: {  	s17 =	rddreg [dreg:$0xc];
	[sflag:s9] =	ssyncadd.s32 $0xFFFFC000  }
0x4f: {  	[hbm4b:s17+s4] =	stream.linear.scatter [tilespmem:s5], [sflag:$0xA], $0x4000, $0x38;
	[tilespmem:$0x1C340] =	vst v63  }
0x50: {  	_ =	swait.ge [sflag:s10], $0x4000  }
0x51: {  	[sflag:s10] =	ssyncset.done $0x0  }
0x52: {  	s19 =	simm.s32 $0x2240;
	[sflag:s10] =	ssyncadd.s32 $0xFFFFC000  }
0x53: {  	[tilespmem:s29], [sflag:$0x2] =	stream.indirect.gather [spmem:s3], $0x80, s19, s25, $0xb8;
	[tilespmem:$0x1C340] =	vst v63  }
0x54: {  	_ =	swait.ge [sflag:s30], $0x4000  }
0x55: {  	s15 =	sadd.s32 s2, s18;
	[sflag:s30] =	ssyncset.done $0x0  }
0x56: {  	s23 =	sadd.s32 $0x2800, s15;
	[sflag:s30] =	ssyncadd.s32 $0xFFFFC000  }
0x57: {  	[hbm4b:s23+s4] =	stream.linear.scatter [tilespmem:s26], [sflag:$0x6], $0x4000, $0x38;
	[tilespmem:$0x1C340] =	vst v63  }
0x58: {  	_ =	swait.ge [sflag:s11], $0x4000  }
0x59: {  	[sflag:s11] =	ssyncset.done $0x0  }
0x5a: {  	s17 =	simm.s32 $0x22C0;
	[sflag:s11] =	ssyncadd.s32 $0xFFFFC000  }
0x5b: {  	[tilespmem:s1], [sflag:$0x3] =	stream.indirect.gather [spmem:s3], $0x80, s17, s25, $0xb8;
	[tilespmem:$0x1C340] =	vst v63  }
0x5c: {  	_ =	swait.ge [sflag:s0], $0x4000  }
0x5d: {  	[sflag:s0] =	ssyncset.done $0x0  }
0x5e: {  	s19 =	sadd.s32 $0x3000, s15;
	[sflag:s0] =	ssyncadd.s32 $0xFFFFC000  }
0x5f: {  	[hbm4b:s19+s4] =	stream.linear.scatter [tilespmem:s29], [sflag:$0x7], $0x4000, $0x38;
	[tilespmem:$0x1C340] =	vst v63  }
0x60: {  	_ =	swait.ge [sflag:s12], $0x4000  }
0x61: {  	[sflag:s12] =	ssyncset.done $0x0  }
0x62: {  	s23 =	simm.s32 $0x2340;
	[sflag:s12] =	ssyncadd.s32 $0xFFFFC000  }
0x63: {  	[tilespmem:s31], [sflag:$0x4] =	stream.indirect.gather [spmem:s3], $0x80, s23, s25, $0xb8;
	[tilespmem:$0x1C340] =	vst v63  }
0x64: {  	_ =	swait.ge [sflag:s28], $0x4000  }
0x65: {  	[sflag:s28] =	ssyncset.done $0x0  }
0x66: {  	s15 =	sadd.s32 $0x3800, s15;
	[sflag:s28] =	ssyncadd.s32 $0xFFFFC000  }
0x67: {  	[hbm4b:s15+s4] =	stream.linear.scatter [tilespmem:s1], [sflag:$0x8], $0x4000, $0x38;
	[tilespmem:$0x1C340] =	vst v63  }
0x68: {  	_ =	swait.ge [sflag:s13], $0x4000  }
0x69: {  	[sflag:s13] =	ssyncset.done $0x0  }
0x6a: {  	s17 =	simm.s32 $0x23C0;
	[sflag:s13] =	ssyncadd.s32 $0xFFFFC000  }
0x6b: {  	[tilespmem:s5], [sflag:$0x5] =	stream.indirect.gather [spmem:s3], $0x80, s17, s25, $0xb8;
	[tilespmem:$0x1C340] =	vst v63  }
0x6c: {  	_ =	swait.ge [sflag:s6], $0x4000  }
0x6d: {  	s19 =	rddreg [dreg:$0x5];
	[sflag:s6] =	ssyncset.done $0x0  }
0x6e: {  	[sflag:s6] =	ssyncadd.s32 $0xFFFFC000;
	s15 =	sadd.s32 s2, s19  }
0x6f: {  	[hbm4b:s15+s4] =	stream.linear.scatter [tilespmem:s31], [sflag:$0x9], $0x4000, $0x38;
	[tilespmem:$0x1C340] =	vst v63  }
0x70: {  	_ =	swait.ge [sflag:s8], $0x4000  }
0x71: {  	[sflag:s8] =	ssyncset.done $0x0  }
0x72: {  	s23 =	simm.s32 $0x2440;
	[sflag:s8] =	ssyncadd.s32 $0xFFFFC000  }
0x73: {  	[tilespmem:s26], [sflag:$0x1] =	stream.indirect.gather [spmem:s3], $0x80, s23, s25, $0xb8;
	[tilespmem:$0x1C340] =	vst v63  }
0x74: {  	_ =	swait.ge [sflag:s9], $0x4000  }
0x75: {  	[sflag:s9] =	ssyncset.done $0x0  }
0x76: {  	s15 =	sadd.s32 $0x800, s15;
	[sflag:s9] =	ssyncadd.s32 $0xFFFFC000  }
0x77: {  	[hbm4b:s15+s4] =	stream.linear.scatter [tilespmem:s5], [sflag:$0xA], $0x4000, $0x38;
	[tilespmem:$0x1C340] =	vst v63  }
0x78: {  	_ =	swait.ge [sflag:s10], $0x4000  }
0x79: {  	s16 =	sadd.s32 $0x2800, s2;
	[sflag:s10] =	ssyncset.done $0x0  }
0x7a: {  	s17 =	simm.s32 $0x24C0;
	s15 =	simm.s32 $0xA00;
	[sflag:s10] =	ssyncadd.s32 $0xFFFFC000  }
.LBB2_2:
0x7b: {  	[tilespmem:s29], [sflag:$0x2] =	stream.indirect.gather [spmem:s3], $0x80, s17, s25, $0xb8;
	[tilespmem:$0x1C340] =	vst v63  }
0x7c: {  	_ =	swait.ge [sflag:s30], $0x4000  }
0x7d: {  	s19 =	sadd.s32 s16, s18;
	[sflag:s30] =	ssyncset.done $0x0  }
0x7e: {  	s23 =	sadd.s32 $0x2800, s19;
	[sflag:s30] =	ssyncadd.s32 $0xFFFFC000  }
0x7f: {  	[hbm4b:s23+s4] =	stream.linear.scatter [tilespmem:s26], [sflag:$0x6], $0x4000, $0x38;
	[tilespmem:$0x1C340] =	vst v63  }
0x80: {  	s17 =	smov.u32 s15;
	_ =	swait.ge [sflag:s11], $0x4000  }
0x81: {  	s17 =	sshra.s32 s17, $0x2;
	[sflag:s11] =	ssyncset.done $0x0  }
0x82: {  	s23 =	sadd.s32 $0x22C0, s17;
	[sflag:s11] =	ssyncadd.s32 $0xFFFFC000  }
0x83: {  	[tilespmem:s1], [sflag:$0x3] =	stream.indirect.gather [spmem:s3], $0x80, s23, s25, $0xb8;
	[tilespmem:$0x1C340] =	vst v63  }
0x84: {  	_ =	swait.ge [sflag:s0], $0x4000  }
0x85: {  	[sflag:s0] =	ssyncset.done $0x0  }
0x86: {  	s23 =	sadd.s32 $0x3000, s19;
	[sflag:s0] =	ssyncadd.s32 $0xFFFFC000  }
0x87: {  	[hbm4b:s23+s4] =	stream.linear.scatter [tilespmem:s29], [sflag:$0x7], $0x4000, $0x38;
	[tilespmem:$0x1C340] =	vst v63  }
0x88: {  	_ =	swait.ge [sflag:s12], $0x4000  }
0x89: {  	[sflag:s12] =	ssyncset.done $0x0  }
0x8a: {  	s23 =	sadd.s32 $0x2340, s17;
	[sflag:s12] =	ssyncadd.s32 $0xFFFFC000  }
0x8b: {  	[tilespmem:s31], [sflag:$0x4] =	stream.indirect.gather [spmem:s3], $0x80, s23, s25, $0xb8;
	[tilespmem:$0x1C340] =	vst v63  }
0x8c: {  	_ =	swait.ge [sflag:s28], $0x4000  }
0x8d: {  	[sflag:s28] =	ssyncset.done $0x0  }
0x8e: {  	s19 =	sadd.s32 $0x3800, s19;
	[sflag:s28] =	ssyncadd.s32 $0xFFFFC000  }
0x8f: {  	[hbm4b:s19+s4] =	stream.linear.scatter [tilespmem:s1], [sflag:$0x8], $0x4000, $0x38;
	[tilespmem:$0x1C340] =	vst v63  }
0x90: {  	_ =	swait.ge [sflag:s13], $0x4000  }
0x91: {  	[sflag:s13] =	ssyncset.done $0x0  }
0x92: {  	s23 =	sadd.s32 $0x23C0, s17;
	[sflag:s13] =	ssyncadd.s32 $0xFFFFC000  }
0x93: {  	[tilespmem:s5], [sflag:$0x5] =	stream.indirect.gather [spmem:s3], $0x80, s23, s25, $0xb8;
	[tilespmem:$0x1C340] =	vst v63  }
0x94: {  	_ =	swait.ge [sflag:s6], $0x4000  }
0x95: {  	s23 =	rddreg [dreg:$0x5];
	[sflag:s6] =	ssyncset.done $0x0  }
0x96: {  	[sflag:s6] =	ssyncadd.s32 $0xFFFFC000;
	s19 =	sadd.s32 s16, s23  }
0x97: {  	[hbm4b:s19+s4] =	stream.linear.scatter [tilespmem:s31], [sflag:$0x9], $0x4000, $0x38;
	[tilespmem:$0x1C340] =	vst v63  }
0x98: {  	_ =	swait.ge [sflag:s8], $0x4000  }
0x99: {  	[sflag:s8] =	ssyncset.done $0x0  }
0x9a: {  	s23 =	sadd.s32 $0x2440, s17;
	[sflag:s8] =	ssyncadd.s32 $0xFFFFC000  }
0x9b: {  	[tilespmem:s26], [sflag:$0x1] =	stream.indirect.gather [spmem:s3], $0x80, s23, s25, $0xb8;
	[tilespmem:$0x1C340] =	vst v63  }
0x9c: {  	_ =	swait.ge [sflag:s9], $0x4000  }
0x9d: {  	p2 =	sne.s32 s15, $0x17200;
	[sflag:s9] =	ssyncset.done $0x0  }
.Ltmp0:
0x9e: {  	s19 =	sadd.s32 $0x800, s19;
	[sflag:s9] =	ssyncadd.s32 $0xFFFFC000;
	(pc) =	sbr.rel @p2 .LBB2_2-.Ltmp0, $4  }
0x9f: {  	[hbm4b:s19+s4] =	stream.linear.scatter [tilespmem:s5], [sflag:$0xA], $0x4000, $0x38;
	[tilespmem:$0x1C340] =	vst v63  }
0xa0: {  	_ =	swait.ge [sflag:s10], $0x4000  }
0xa1: {  	s15 =	sadd.s32 $0xA00, s15;
	[sflag:s10] =	ssyncset.done $0x0  }
0xa2: {  	s17 =	sadd.s32 $0x24C0, s17;
	s16 =	sadd.s32 $0x2800, s16;
	[sflag:s10] =	ssyncadd.s32 $0xFFFFC000  }
0xa3: {  	[tilespmem:s29], [sflag:$0x2] =	stream.indirect.gather [spmem:s3], $0x80, s17, s25, $0xb8;
	[tilespmem:$0x1C340] =	vst v63  }
0xa4: {  	_ =	swait.ge [sflag:s30], $0x4000  }
0xa5: {  	[sflag:s30] =	ssyncset.done $0x0  }
0xa6: {  	s15 =	rddreg [dreg:$0xd];
	[sflag:s30] =	ssyncadd.s32 $0xFFFFC000  }
0xa7: {  	[hbm4b:s15+s4] =	stream.linear.scatter [tilespmem:s26], [sflag:$0x6], $0x4000, $0x38;
	[tilespmem:$0x1C340] =	vst v63  }
0xa8: {  	_ =	swait.ge [sflag:s11], $0x4000  }
0xa9: {  	[sflag:s11] =	ssyncset.done $0x0  }
0xaa: {  	s16 =	simm.s32 $0x81C0;
	[sflag:s11] =	ssyncadd.s32 $0xFFFFC000  }
0xab: {  	[tilespmem:s1], [sflag:$0x3] =	stream.indirect.gather [spmem:s3], $0x80, s16, s25, $0xb8;
	[tilespmem:$0x1C340] =	vst v63  }
0xac: {  	_ =	swait.ge [sflag:s0], $0x4000  }
0xad: {  	[sflag:s0] =	ssyncset.done $0x0  }
0xae: {  	s17 =	rddreg [dreg:$0xe];
	[sflag:s0] =	ssyncadd.s32 $0xFFFFC000  }
0xaf: {  	[hbm4b:s17+s4] =	stream.linear.scatter [tilespmem:s29], [sflag:$0x7], $0x4000, $0x38;
	[tilespmem:$0x1C340] =	vst v63  }
0xb0: {  	_ =	swait.ge [sflag:s12], $0x4000  }
0xb1: {  	[sflag:s12] =	ssyncset.done $0x0  }
0xb2: {  	s19 =	simm.s32 $0x8240;
	[sflag:s12] =	ssyncadd.s32 $0xFFFFC000  }
0xb3: {  	[tilespmem:s31], [sflag:$0x4] =	stream.indirect.gather [spmem:s3], $0x80, s19, s25, $0xb8;
	[tilespmem:$0x1C340] =	vst v63  }
0xb4: {  	_ =	swait.ge [sflag:s28], $0x4000  }
0xb5: {  	[sflag:s28] =	ssyncset.done $0x0  }
0xb6: {  	s23 =	rddreg [dreg:$0xf];
	[sflag:s28] =	ssyncadd.s32 $0xFFFFC000  }
0xb7: {  	[hbm4b:s23+s4] =	stream.linear.scatter [tilespmem:s1], [sflag:$0x8], $0x4000, $0x38;
	[tilespmem:$0x1C340] =	vst v63  }
0xb8: {  	_ =	swait.ge [sflag:s13], $0x4000  }
0xb9: {  	[sflag:s13] =	ssyncset.done $0x0  }
0xba: {  	s16 =	simm.s32 $0x82C0;
	[sflag:s13] =	ssyncadd.s32 $0xFFFFC000  }
0xbb: {  	[tilespmem:s5], [sflag:$0x5] =	stream.indirect.gather [spmem:s3], $0x80, s16, s25, $0xb8;
	[tilespmem:$0x1C340] =	vst v63  }
0xbc: {  	_ =	swait.ge [sflag:s6], $0x4000  }
0xbd: {  	[sflag:s6] =	ssyncset.done $0x0  }
0xbe: {  	s17 =	rddreg [dreg:$0x10];
	[sflag:s6] =	ssyncadd.s32 $0xFFFFC000  }
0xbf: {  	[hbm4b:s17+s4] =	stream.linear.scatter [tilespmem:s31], [sflag:$0x9], $0x4000, $0x38;
	[tilespmem:$0x1C340] =	vst v63  }
0xc0: {  	_ =	swait.ge [sflag:s9], $0x4000  }
0xc1: {  	[sflag:s9] =	ssyncset.done $0x0  }
0xc2: {  	s19 =	rddreg [dreg:$0x11];
	[sflag:s9] =	ssyncadd.s32 $0xFFFFC000  }
0xc3: {  	[hbm4b:s19+s4] =	stream.linear.scatter [tilespmem:s5], [sflag:$0xA], $0x4000, $0x38;
	[tilespmem:$0x1C340] =	vst v63  }
0xc4: {  	_ =	swait.ge [sflag:s8], $0x4000  }
0xc5: {  	[sflag:s8] =	ssyncset.done $0x0  }
0xc6: {  	[sflag:s8] =	ssyncadd.s32 $0xFFFFC000  }
0xc7: {  	_ =	swait.ge [sflag:s10], $0x4000  }
0xc8: {  	[sflag:s10] =	ssyncset.done $0x0  }
0xc9: {  	[sflag:s10] =	ssyncadd.s32 $0xFFFFC000  }
0xca: {  	_ =	swait.ge [sflag:s11], $0x4000  }
0xcb: {  	[sflag:s11] =	ssyncset.done $0x0  }
0xcc: {  	[sflag:s11] =	ssyncadd.s32 $0xFFFFC000  }
0xcd: {  	_ =	swait.ge [sflag:s12], $0x4000  }
0xce: {  	[sflag:s12] =	ssyncset.done $0x0  }
0xcf: {  	[sflag:s12] =	ssyncadd.s32 $0xFFFFC000  }
0xd0: {  	_ =	swait.ge [sflag:s13], $0x4000  }
0xd1: {  	s14 =	sadd.s32 $0x1, s14;
	s23 =	rddreg [dreg:$0x12]  }
0xd2: {  	p2 =	sne.s32 s14, s23  }
.Ltmp1:
0xd3: {  	_ = 	snop;
	(pc) =	sbr.rel @p2 .LBB2_1-.Ltmp1, $3  }
0xd4: {  	_ =	sdelay $0x1  }
0xd5: {  	[sflag:s13] =	ssyncset.done $0x0  }
0xd6: {  	[sflag:s13] =	ssyncadd.s32 $0xFFFFC000  }
0xd7: {  	_ =	sfence.sel $0x180000  }
0xd8: {  	[bflag:$0x0] =	sbarrier.arrive $0xFFFF  }
0xd9: {  	_ =	strace $0x90000047  }
0xda: {  	s0 =	stileid.u32;
	[bflag:$0x2] =	sbarrier.arrive $0xFFFF  }
0xdb: {  	p0 =	sne.s32 s0, $0x0;
	s0 =	rddreg [dreg:$0x4]  }
0xdc: {  	s0 =	sadd.s32 @!p0 $0x100000, s0  }
0xdd: {  	[sflag:s0] =	ssyncadd.tile.s32 @!p0 $0x1;
	_ =	shalt  }
.Lfunc_end2:
_tile_overlayer_lowered:
.L_overlay_start_2:
0xde: {  	(tag) =	ssettag $0x2  }
0xdf: {  	s0 =	rddreg [dreg:$0x0];
	s2 =	stileid.u32  }
0xe0: {  	s1 =	rddreg [dreg:$0x1];
	p0 =	sne.s32 s2, $0x0  }
0xe1: {  	s3 =	rddreg [dreg:$0x2];
	[bflag:$0x3] =	sbarrier.arrive $0xFFFF;
	s2 =	simm.s32 @!p0 $0x1C0B  }
0xe2: {  	[timem:s3], [sflag:s2] =	dma.local @!p0 [hbm:s0], s1  }
0xe3: {  	s0 =	simm.s32 @!p0 $0xB  }
0xe4: {  	_ =	swait.ge @!p0 [sflag:s0], s1  }
0xe5: {  	s1 =	ssub.s32 @!p0 $0x0, s1;
	[sflag:s0] =	ssyncset.done @!p0 $0x0  }
0xe6: {  	[sflag:s0] =	ssyncadd.s32 @!p0 s1  }
0xe7: {  	[bflag:$0x3] =	sbarrier.arrive $0xFFFF  }
0xe8: {  	_ =	shalt  }

</sc_bundles>
